<compile_context>
chip_gen: v7x
topology: tpu7x:2x2x1
jax: 0.10.2.dev20260603
libtpu: 0.0.44.dev20260713+nightly
codegen_flags: <defaults>
</compile_context>

<pallas_src>
import functools

import jax
import jax.numpy as jnp
from jax import lax
from jax.experimental import pallas as pl
from jax.experimental.pallas import tpu as pltpu
from jax.experimental.pallas import tpu_sc as plsc

NC = 2
NS = 16
NW = NC * NS
CH = 80
DEGW = 16

_SC_PARAMS = pltpu.CompilerParams(use_tc_tiling_on_sc=False)


def _worker(c, s, e):
    epw = e // NW
    return c * (e // NC) + s * epw, epw


def _mesh():
    return plsc.VectorSubcoreMesh(core_axis_name="c", subcore_axis_name="s")


def _rpt(n):
    return (n // NS + 7) // 8 * 8


def _deg_kernel(n, e):
    epw = e // NW
    nch = epw // CH
    rpt = _rpt(n)
    npad = NS * rpt

    @functools.partial(
        pl.kernel,
        out_type=jax.ShapeDtypeStruct((NC, npad, DEGW), jnp.float32),
        mesh=_mesh(),
        compiler_params=_SC_PARAMS,
        scratch_types=[
            pltpu.VMEM((CH,), jnp.int32),
            pltpu.VMEM((CH, DEGW), jnp.float32),
            pltpu.VMEM((rpt, DEGW), jnp.float32),
            pltpu.VMEM_SHARED((npad, DEGW), jnp.float32),
        ],
    )
    def k(dst, out, didx, ones, zbuf, acc):
        c = lax.axis_index("c")
        s = lax.axis_index("s")
        base, _ = _worker(c, s, e)

        def initz(i, _):
            zbuf[i, :] = jnp.zeros((16,), jnp.float32)
            return 0

        lax.fori_loop(0, rpt, initz, 0)

        def inito(i, _):
            ones[i, :] = jnp.ones((16,), jnp.float32)
            return 0

        lax.fori_loop(0, CH, inito, 0)
        pltpu.sync_copy(zbuf, acc.at[pl.ds(s * rpt, rpt)])
        plsc.subcore_barrier()

        def body(i, _):
            pltpu.sync_copy(dst.at[pl.ds(base + i * CH, CH)], didx)
            pltpu.sync_copy(ones, acc.at[didx], add=True)
            return 0

        lax.fori_loop(0, nch, body, 0)
        plsc.subcore_barrier()
        pltpu.sync_copy(acc.at[pl.ds(s * rpt, rpt)],
                        out.at[c, pl.ds(s * rpt, rpt)])

    return k


def _seg_kernel(n, e, dh):
    epw = e // NW
    nch = epw // CH
    rpt = _rpt(n)
    npad = NS * rpt

    @functools.partial(
        pl.kernel,
        out_type=[jax.ShapeDtypeStruct((NC, npad, dh), jnp.float32),
                  jax.ShapeDtypeStruct((NC, npad, dh), jnp.float32)],
        mesh=_mesh(),
        compiler_params=_SC_PARAMS,
        scratch_types=[
            pltpu.VMEM((CH,), jnp.int32),
            pltpu.VMEM((CH,), jnp.int32),
            pltpu.VMEM((CH, dh), jnp.float32),
            pltpu.VMEM((rpt, dh), jnp.float32),
            pltpu.VMEM_SHARED((npad, dh), jnp.float32),
            pltpu.SemaphoreType.DMA,
        ],
    )
    def k(ga, gb, src, dst, outa, outb, sidx, didx, rows, zbuf, acc, sem):
        c = lax.axis_index("c")
        s = lax.axis_index("s")
        base, _ = _worker(c, s, e)

        def initz(i, _):
            for j in range(dh // 16):
                zbuf[i, pl.ds(j * 16, 16)] = jnp.zeros((16,), jnp.float32)
            return 0

        lax.fori_loop(0, rpt, initz, 0)

        for g, out in ((ga, outa), (gb, outb)):
            pltpu.sync_copy(zbuf, acc.at[pl.ds(s * rpt, rpt)])
            plsc.subcore_barrier()

            def body(i, _, g=g):
                b = base + i * CH
                pltpu.sync_copy(src.at[pl.ds(b, CH)], sidx)
                pltpu.sync_copy(dst.at[pl.ds(b, CH)], didx)
                pltpu.async_copy(g.at[sidx], rows, sem).wait()
                pltpu.sync_copy(rows, acc.at[didx], add=True)
                return 0

            lax.fori_loop(0, nch, body, 0)
            plsc.subcore_barrier()
            pltpu.sync_copy(acc.at[pl.ds(s * rpt, rpt)],
                            out.at[c, pl.ds(s * rpt, rpt)])
            plsc.subcore_barrier()

    return k


def _gat_kernel(n, e, d):
    epw = e // NW
    nch = epw // CH

    @functools.partial(
        pl.kernel,
        out_type=jax.ShapeDtypeStruct((e, d), jnp.float32),
        mesh=_mesh(),
        compiler_params=_SC_PARAMS,
        scratch_types=[
            pltpu.VMEM((CH,), jnp.int32),
            pltpu.VMEM((CH,), jnp.int32),
            pltpu.VMEM((CH, d), jnp.float32),
            pltpu.VMEM((CH, d), jnp.float32),
            pltpu.SemaphoreType.DMA,
            pltpu.SemaphoreType.DMA,
        ],
    )
    def k(a, bmat, src, dst, out, ridx, cidx, av, bv, sem1, sem2):
        c = lax.axis_index("c")
        s = lax.axis_index("s")
        base, _ = _worker(c, s, e)

        def body(i, _):
            b = base + i * CH
            pltpu.sync_copy(src.at[pl.ds(b, CH)], ridx)
            pltpu.sync_copy(dst.at[pl.ds(b, CH)], cidx)
            cp1 = pltpu.async_copy(a.at[ridx], av, sem1)
            cp2 = pltpu.async_copy(bmat.at[cidx], bv, sem2)
            cp1.wait()
            cp2.wait()

            def comb(r, _):
                for j in range(d // 16):
                    sl = pl.ds(j * 16, 16)
                    av[r, sl] = jnp.maximum(av[r, sl] + bv[r, sl], 0.0)
                return 0

            lax.fori_loop(0, CH, comb, 0)
            pltpu.sync_copy(av, out.at[pl.ds(b, CH)])
            return 0

        lax.fori_loop(0, nch, body, 0)

    return k


def _dinv_of(degp):
    return lax.rsqrt(1.0 + degp[0, :, 0:1] + degp[1, :, 0:1])


def _k1_body(x_ref, w_ref, degp_ref, oa_ref, ob_ref):
    dh = oa_ref.shape[1]
    dinv = _dinv_of(degp_ref[...])
    t = jnp.dot(x_ref[...], w_ref[...],
                preferred_element_type=jnp.float32) * dinv
    oa_ref[...] = t[:, :dh]
    ob_ref[...] = t[:, dh:]


def _k2_body(sa_ref, sb_ref, ga_ref, gb_ref, degp_ref, b1_ref, w2_ref,
             oa_ref, ob_ref):
    dh = oa_ref.shape[1]
    dinv = _dinv_of(degp_ref[...])
    sa = sa_ref[...]
    sb = sb_ref[...]
    b1 = b1_ref[...]
    h1a = jnp.maximum(dinv * (sa[0] + sa[1] + ga_ref[...]) + b1[:, :dh], 0.0)
    h1b = jnp.maximum(dinv * (sb[0] + sb[1] + gb_ref[...]) + b1[:, dh:], 0.0)
    w2 = w2_ref[...]
    t = (jnp.dot(h1a, w2[:dh], preferred_element_type=jnp.float32)
         + jnp.dot(h1b, w2[dh:], preferred_element_type=jnp.float32)) * dinv
    oa_ref[...] = t[:, :dh]
    ob_ref[...] = t[:, dh:]


def _k3_body(sa_ref, sb_ref, ga_ref, gb_ref, degp_ref, b2_ref, we_ref,
             be_ref, a_ref, b_ref):
    dh = ga_ref.shape[1]
    d = 2 * dh
    dinv = _dinv_of(degp_ref[...])
    sa = sa_ref[...]
    sb = sb_ref[...]
    b2 = b2_ref[...]
    h2a = dinv * (sa[0] + sa[1] + ga_ref[...]) + b2[:, :dh]
    h2b = dinv * (sb[0] + sb[1] + gb_ref[...]) + b2[:, dh:]
    we = we_ref[...]
    a_ref[...] = (jnp.dot(h2a, we[:dh], preferred_element_type=jnp.float32)
                  + jnp.dot(h2b, we[dh:d], preferred_element_type=jnp.float32)
                  + be_ref[...])
    b_ref[...] = (jnp.dot(h2a, we[d:d + dh],
                          preferred_element_type=jnp.float32)
                  + jnp.dot(h2b, we[d + dh:],
                            preferred_element_type=jnp.float32))


def _k4_body(f_ref, wc1_ref, bc1_ref, wc2_ref, bc2_ref, o_ref):
    hc = jnp.maximum(
        jnp.dot(f_ref[...], wc1_ref[...],
                preferred_element_type=jnp.float32) + bc1_ref[...], 0.0)
    wdiff = wc2_ref[:, 1:2] - wc2_ref[:, 0:1]
    z = jnp.dot(hc, wdiff, preferred_element_type=jnp.float32) \
        + (bc2_ref[:, 1:2] - bc2_ref[:, 0:1])
    o_ref[...] = jax.nn.sigmoid(z)


def _row_spec(rb, cols):
    return pl.BlockSpec((rb, cols), lambda i: (i, 0))


def _full_spec(shape):
    return pl.BlockSpec(shape, lambda i: tuple(0 for _ in shape))


def kernel(x, edge_index, W1, b1, W2, b2, We, be, Wc1, bc1, Wc2, bc2):
    n, din = x.shape
    e = edge_index.shape[1]
    d = W1.shape[1]
    dh = d // 2
    hdim = Wc1.shape[1]
    assert e % (NW * CH) == 0 and n % NS == 0

    rb = 1000
    degp_spec = pl.BlockSpec((NC, rb, DEGW), lambda i: (0, i, 0))
    seg_spec = pl.BlockSpec((NC, rb, dh), lambda i: (0, i, 0))
    half_spec = _row_spec(rb, dh)

    esrc = edge_index[0]
    edst = edge_index[1]
    degp = _deg_kernel(n, e)(edst)

    g1a, g1b = pl.pallas_call(
        _k1_body,
        grid=(n // rb,),
        in_specs=[_row_spec(rb, din), _full_spec((din, d)), degp_spec],
        out_specs=[half_spec, half_spec],
        out_shape=[jax.ShapeDtypeStruct((n, dh), jnp.float32)] * 2,
    )(x, W1, degp)

    seg = _seg_kernel(n, e, dh)
    s1a, s1b = seg(g1a, g1b, esrc, edst)

    g2a, g2b = pl.pallas_call(
        _k2_body,
        grid=(n // rb,),
        in_specs=[seg_spec, seg_spec, half_spec, half_spec, degp_spec,
                  _full_spec((1, d)), _full_spec((d, d))],
        out_specs=[half_spec, half_spec],
        out_shape=[jax.ShapeDtypeStruct((n, dh), jnp.float32)] * 2,
    )(s1a, s1b, g1a, g1b, degp, b1.reshape(1, d), W2)

    s2a, s2b = seg(g2a, g2b, esrc, edst)

    A, B = pl.pallas_call(
        _k3_body,
        grid=(n // rb,),
        in_specs=[seg_spec, seg_spec, half_spec, half_spec, degp_spec,
                  _full_spec((1, d)), _full_spec((2 * d, d)),
                  _full_spec((1, d))],
        out_specs=[_row_spec(rb, d), _row_spec(rb, d)],
        out_shape=[jax.ShapeDtypeStruct((n, d), jnp.float32)] * 2,
    )(s2a, s2b, g2a, g2b, degp, b2.reshape(1, d), We, be.reshape(1, d))

    F = _gat_kernel(n, e, d)(A, B, esrc, edst)

    eb = 6400
    out2d = pl.pallas_call(
        _k4_body,
        grid=(e // eb,),
        in_specs=[_row_spec(eb, d), _full_spec((d, hdim)),
                  _full_spec((1, hdim)), _full_spec((hdim, 2)),
                  _full_spec((1, 2))],
        out_specs=_row_spec(eb, 1),
        out_shape=jax.ShapeDtypeStruct((e, 1), jnp.float32),
    )(F, Wc1, bc1.reshape(1, hdim), Wc2, bc2.reshape(1, 2))

    return out2d[:, 0]

# --- scband reference (transcript-rebuilt; emitter-appended) ---
"""Pipeline reference for scband-contrastive-gnn-37151467111037 (READ-ONLY COPY).

The authoritative reference and input builder live on the scoring server;
editing this copy changes nothing except your own understanding.
"""

import jax, jax.numpy as jnp
import numpy as np

N_NODES = 10000
N_EDGES = 320000
D_IN = 128
HID = 128
PROJ = 64
N_CLASSES = 2


def _glorot(k, shape):
    lim = float(np.sqrt(6.0 / (shape[0] + shape[1])))
    return jax.random.uniform(k, shape, jnp.float32, -lim, lim)


def gcn_conv(x, edge_index, W, b):
    # PyG GCNConv: add self-loops, symmetric normalization D^-1/2 (A+I) D^-1/2 X W + b
    n = x.shape[0]
    h = x @ W
    loop = jnp.arange(n, dtype=edge_index.dtype)
    src = jnp.concatenate([edge_index[0], loop])
    dst = jnp.concatenate([edge_index[1], loop])
    deg = jnp.zeros(n, dtype=h.dtype).at[dst].add(1.0)
    dinv = jnp.where(deg > 0, jax.lax.rsqrt(deg), 0.0)
    norm = dinv[src] * dinv[dst]
    msgs = h[src] * norm[:, None]
    out = jax.ops.segment_sum(msgs, dst, num_segments=n)
    return out + b


def setup_inputs(seed: int = 0) -> dict:
    key = jax.random.key(seed)
    ks = jax.random.split(key, 10)
    x = jax.random.normal(ks[0], (N_NODES, D_IN), dtype=jnp.float32)
    edge_index = jax.random.randint(ks[1], (2, N_EDGES), 0, N_NODES, dtype=jnp.int32)
    W1 = _glorot(ks[2], (D_IN, HID)); b1 = jnp.zeros((HID,), jnp.float32)
    W2 = _glorot(ks[3], (HID, HID)); b2 = jnp.zeros((HID,), jnp.float32)
    We = _glorot(ks[4], (2 * HID, HID)); be = jnp.zeros((HID,), jnp.float32)
    Wc1 = _glorot(ks[5], (HID, HID // 2)); bc1 = jnp.zeros((HID // 2,), jnp.float32)
    Wc2 = _glorot(ks[6], (HID // 2, N_CLASSES)); bc2 = jnp.zeros((N_CLASSES,), jnp.float32)
    return {"x": x, "edge_index": edge_index, "W1": W1, "b1": b1, "W2": W2, "b2": b2,
            "We": We, "be": be, "Wc1": Wc1, "bc1": bc1, "Wc2": Wc2, "bc2": bc2}


def reference(x, edge_index, W1, b1, W2, b2, We, be, Wc1, bc1, Wc2, bc2):
    # encode_nodes (eval mode: dropout is identity)
    h = gcn_conv(x, edge_index, W1, b1)
    h = jax.nn.relu(h)
    h = gcn_conv(h, edge_index, W2, b2)
    # edge embeddings: concat src/dst node embeddings -> edge_mlp
    row = edge_index[0]
    col = edge_index[1]
    edge_features = jnp.concatenate([h[row], h[col]], axis=1)
    e = jax.nn.relu(edge_features @ We + be)
    # classifier head (dropout identity in eval)
    hc = jax.nn.relu(e @ Wc1 + bc1)
    logits = hc @ Wc2 + bc2
    probs = jax.nn.softmax(logits, axis=-1)
    # num_classes == 2 -> return positive-class probability [num_edges]
    return probs[:, 1]

if __name__ == "__main__":
    import jax
    _d = setup_inputs()
    print(jax.jit(kernel)(*tuple(_d.values())))

</pallas_src>

<mosaic_0001>
#map = affine_map<(d0, d1) -> (0, 0)>
#map1 = affine_map<(d0, d1) -> (0)>
module attributes {stable_mosaic.version = 14 : i64} {
  func.func @k(%arg0: i32, %arg1: i32, %arg2: memref<10000x128xf32, #tpu.memory_space<hbm>>, %arg3: memref<10000x128xf32, #tpu.memory_space<hbm>>, %arg4: memref<320000xi32, #tpu.memory_space<hbm>>, %arg5: memref<320000xi32, #tpu.memory_space<hbm>>, %arg6: memref<320000x128xf32, #tpu.memory_space<hbm>>, %arg7: memref<80xi32, #tpu.memory_space<vmem>>, %arg8: memref<80xi32, #tpu.memory_space<vmem>>, %arg9: memref<80x128xf32, #tpu.memory_space<vmem>>, %arg10: memref<80x128xf32, #tpu.memory_space<vmem>>, %arg11: memref<!tpu.dma_semaphore, #tpu.memory_space<semaphore_mem>>, %arg12: memref<!tpu.dma_semaphore, #tpu.memory_space<semaphore_mem>>) attributes {dimension_semantics = [#tpu.dimension_semantics<core_parallel>, #tpu.dimension_semantics<subcore_parallel>], iteration_bounds = array<i64: 2, 16>, scalar_prefetch = 0 : i64, scratch_operands = 6 : i64, tpu.core_type = #tpu.core_type<sc_vector_subcore>, window_params = [{transform_indices = #map}, {transform_indices = #map}, {transform_indices = #map1}, {transform_indices = #map1}, {transform_indices = #map}]} {
    %mul3A = arith.constant 160000 : i32
    %mul3A_0 = arith.muli %arg0, %mul3A : i32
    %mul3A_1 = arith.constant 10000 : i32
    %mul3A_2 = arith.muli %arg1, %mul3A_1 : i32
    %add3A = arith.addi %mul3A_0, %mul3A_2 : i32
    %scan3A = arith.constant 0 : i32
    %scan3A_3 = arith.constant 0 : i32
    %scan3A_4 = arith.constant 125 : i32
    %scan3A_5 = arith.addi %scan3A_3, %scan3A_4 : i32
    %scan3A_6 = arith.constant 1 : i32
    %scan3A_7 = scf.for %scan3A_9 = %scan3A_3 to %scan3A_5 step %scan3A_6 iter_args(%scan3A_10 = %scan3A) -> (i32)  : i32 {
      %mul3A_11 = arith.constant 80 : i32
      %mul3A_12 = arith.muli %scan3A_9, %mul3A_11 : i32
      %add3A_13 = arith.addi %add3A, %mul3A_12 : i32
      "tpu.region"() ({
        %run_scoped3A = tpu.sem_alloc : memref<!tpu.dma_semaphore, #tpu.memory_space<semaphore_mem>>
        %dma_start3A_32 = tpu.memref_slice %arg4[%add3A_13] : memref<320000xi32, #tpu.memory_space<hbm>> -> memref<80xi32, #tpu.memory_space<hbm>>
        %dma_start3A_33 = tpu.memref_slice %arg4[%add3A_13] : memref<320000xi32, #tpu.memory_space<hbm>> -> memref<80xi32, #tpu.memory_space<hbm>>
        tpu.enqueue_dma source(%dma_start3A_33 : memref<80xi32, #tpu.memory_space<hbm>>) target(%arg7 : memref<80xi32, #tpu.memory_space<vmem>>) target_semaphore(%run_scoped3A : memref<!tpu.dma_semaphore, #tpu.memory_space<semaphore_mem>>)
        %dma_wait3A_34 = tpu.memref_slice %arg4[%add3A_13] : memref<320000xi32, #tpu.memory_space<hbm>> -> memref<80xi32, #tpu.memory_space<hbm>>
        %dma_wait3A_35 = tpu.memref_slice %arg4[%add3A_13] : memref<320000xi32, #tpu.memory_space<hbm>> -> memref<80xi32, #tpu.memory_space<hbm>>
        tpu.wait_dma2 semaphore(%run_scoped3A : memref<!tpu.dma_semaphore, #tpu.memory_space<semaphore_mem>>) src(%dma_wait3A_35 : memref<80xi32, #tpu.memory_space<hbm>>) dst(%arg7 : memref<80xi32, #tpu.memory_space<vmem>>)
        tpu.yield
      }) : () -> ()
      "tpu.region"() ({
        %run_scoped3A = tpu.sem_alloc : memref<!tpu.dma_semaphore, #tpu.memory_space<semaphore_mem>>
        %dma_start3A_32 = tpu.memref_slice %arg5[%add3A_13] : memref<320000xi32, #tpu.memory_space<hbm>> -> memref<80xi32, #tpu.memory_space<hbm>>
        %dma_start3A_33 = tpu.memref_slice %arg5[%add3A_13] : memref<320000xi32, #tpu.memory_space<hbm>> -> memref<80xi32, #tpu.memory_space<hbm>>
        tpu.enqueue_dma source(%dma_start3A_33 : memref<80xi32, #tpu.memory_space<hbm>>) target(%arg8 : memref<80xi32, #tpu.memory_space<vmem>>) target_semaphore(%run_scoped3A : memref<!tpu.dma_semaphore, #tpu.memory_space<semaphore_mem>>)
        %dma_wait3A_34 = tpu.memref_slice %arg5[%add3A_13] : memref<320000xi32, #tpu.memory_space<hbm>> -> memref<80xi32, #tpu.memory_space<hbm>>
        %dma_wait3A_35 = tpu.memref_slice %arg5[%add3A_13] : memref<320000xi32, #tpu.memory_space<hbm>> -> memref<80xi32, #tpu.memory_space<hbm>>
        tpu.wait_dma2 semaphore(%run_scoped3A : memref<!tpu.dma_semaphore, #tpu.memory_space<semaphore_mem>>) src(%dma_wait3A_35 : memref<80xi32, #tpu.memory_space<hbm>>) dst(%arg8 : memref<80xi32, #tpu.memory_space<vmem>>)
        tpu.yield
      }) : () -> ()
      %dma_start3A = arith.constant 0 : i32
      %dma_start3A_14 = arith.constant 0 : i32
      %dma_start3A_15 = tpu.memref_slice %arg2[%dma_start3A, %dma_start3A_14] : memref<10000x128xf32, #tpu.memory_space<hbm>> -> memref<10000x128xf32, #tpu.memory_space<hbm>>
      tpu.enqueue_indirect_dma source(%dma_start3A_15 : memref<10000x128xf32, #tpu.memory_space<hbm>>) target(%arg9 : memref<80x128xf32, #tpu.memory_space<vmem>>) offsets(%arg7 : memref<80xi32, #tpu.memory_space<vmem>>) semaphore(%arg11 : memref<!tpu.dma_semaphore, #tpu.memory_space<semaphore_mem>>)
      %dma_start3A_16 = arith.constant 0 : i32
      %dma_start3A_17 = arith.constant 0 : i32
      %dma_start3A_18 = tpu.memref_slice %arg3[%dma_start3A_16, %dma_start3A_17] : memref<10000x128xf32, #tpu.memory_space<hbm>> -> memref<10000x128xf32, #tpu.memory_space<hbm>>
      tpu.enqueue_indirect_dma source(%dma_start3A_18 : memref<10000x128xf32, #tpu.memory_space<hbm>>) target(%arg10 : memref<80x128xf32, #tpu.memory_space<vmem>>) offsets(%arg8 : memref<80xi32, #tpu.memory_space<vmem>>) semaphore(%arg12 : memref<!tpu.dma_semaphore, #tpu.memory_space<semaphore_mem>>)
      %dma_wait3A = arith.constant 0 : i32
      %dma_wait3A_19 = arith.constant 0 : i32
      %dma_wait3A_20 = tpu.memref_slice %arg2[%dma_wait3A, %dma_wait3A_19] : memref<10000x128xf32, #tpu.memory_space<hbm>> -> memref<10000x128xf32, #tpu.memory_space<hbm>>
      tpu.wait_indirect_dma semaphore(%arg11 : memref<!tpu.dma_semaphore, #tpu.memory_space<semaphore_mem>>) src(%dma_wait3A_20 : memref<10000x128xf32, #tpu.memory_space<hbm>>) dst(%arg9 : memref<80x128xf32, #tpu.memory_space<vmem>>)
      %dma_wait3A_21 = arith.constant 0 : i32
      %dma_wait3A_22 = arith.constant 0 : i32
      %dma_wait3A_23 = tpu.memref_slice %arg3[%dma_wait3A_21, %dma_wait3A_22] : memref<10000x128xf32, #tpu.memory_space<hbm>> -> memref<10000x128xf32, #tpu.memory_space<hbm>>
      tpu.wait_indirect_dma semaphore(%arg12 : memref<!tpu.dma_semaphore, #tpu.memory_space<semaphore_mem>>) src(%dma_wait3A_23 : memref<10000x128xf32, #tpu.memory_space<hbm>>) dst(%arg10 : memref<80x128xf32, #tpu.memory_space<vmem>>)
      %scan3A_24 = arith.constant 0 : i32
      %scan3A_25 = arith.constant 0 : i32
      %scan3A_26 = arith.constant 80 : i32
      %scan3A_27 = arith.addi %scan3A_25, %scan3A_26 : i32
      %scan3A_28 = arith.constant 1 : i32
      %scan3A_29 = scf.for %scan3A_32 = %scan3A_25 to %scan3A_27 step %scan3A_28 iter_args(%scan3A_33 = %scan3A_24) -> (i32)  : i32 {
        %get3A = arith.index_cast %scan3A_32 : i32 to index
        %get3A_34 = arith.constant 0 : index
        %get3A_35 = tpu.vector_load %arg9[%get3A, %get3A_34] {strides = array<i32>} : memref<80x128xf32, #tpu.memory_space<vmem>>, vector<1x16xf32>,
        %get3A_36 = vector.shape_cast %get3A_35 : vector<1x16xf32> to vector<16xf32>
        %get3A_37 = arith.index_cast %scan3A_32 : i32 to index
        %get3A_38 = arith.constant 0 : index
        %get3A_39 = tpu.vector_load %arg10[%get3A_37, %get3A_38] {strides = array<i32>} : memref<80x128xf32, #tpu.memory_space<vmem>>, vector<1x16xf32>,
        %get3A_40 = vector.shape_cast %get3A_39 : vector<1x16xf32> to vector<16xf32>
        %add3A_41 = arith.addf %get3A_36, %get3A_40 : vector<16xf32>
        %max3A = arith.constant 0.000000e+00 : f32
        %max3A_42 = vector.broadcast %max3A : f32 to vector<16xf32>
        %max3A_43 = arith.maximumf %add3A_41, %max3A_42 : vector<16xf32>
        %swap3A = arith.index_cast %scan3A_32 : i32 to index
        %swap3A_44 = arith.constant 0 : index
        %swap3A_45 = tpu.vector_load %arg9[%swap3A, %swap3A_44] {strides = array<i32>} : memref<80x128xf32, #tpu.memory_space<vmem>>, vector<1x16xf32>,
        %swap3A_46 = vector.shape_cast %swap3A_45 : vector<1x16xf32> to vector<16xf32>
        %swap3A_47 = vector.shape_cast %max3A_43 : vector<16xf32> to vector<1x16xf32>
        tpu.vector_store %arg9[%swap3A, %swap3A_44], %swap3A_47 {strides = array<i32>} : memref<80x128xf32, #tpu.memory_space<vmem>>, vector<1x16xf32>,
        %get3A_48 = arith.index_cast %scan3A_32 : i32 to index
        %get3A_49 = arith.constant 16 : index
        %get3A_50 = tpu.vector_load %arg9[%get3A_48, %get3A_49] {strides = array<i32>} : memref<80x128xf32, #tpu.memory_space<vmem>>, vector<1x16xf32>,
        %get3A_51 = vector.shape_cast %get3A_50 : vector<1x16xf32> to vector<16xf32>
        %get3A_52 = arith.index_cast %scan3A_32 : i32 to index
        %get3A_53 = arith.constant 16 : index
        %get3A_54 = tpu.vector_load %arg10[%get3A_52, %get3A_53] {strides = array<i32>} : memref<80x128xf32, #tpu.memory_space<vmem>>, vector<1x16xf32>,
        %get3A_55 = vector.shape_cast %get3A_54 : vector<1x16xf32> to vector<16xf32>
        %add3A_56 = arith.addf %get3A_51, %get3A_55 : vector<16xf32>
        %max3A_57 = arith.constant 0.000000e+00 : f32
        %max3A_58 = vector.broadcast %max3A_57 : f32 to vector<16xf32>
        %max3A_59 = arith.maximumf %add3A_56, %max3A_58 : vector<16xf32>
        %swap3A_60 = arith.index_cast %scan3A_32 : i32 to index
        %swap3A_61 = arith.constant 16 : index
        %swap3A_62 = tpu.vector_load %arg9[%swap3A_60, %swap3A_61] {strides = array<i32>} : memref<80x128xf32, #tpu.memory_space<vmem>>, vector<1x16xf32>,
        %swap3A_63 = vector.shape_cast %swap3A_62 : vector<1x16xf32> to vector<16xf32>
        %swap3A_64 = vector.shape_cast %max3A_59 : vector<16xf32> to vector<1x16xf32>
        tpu.vector_store %arg9[%swap3A_60, %swap3A_61], %swap3A_64 {strides = array<i32>} : memref<80x128xf32, #tpu.memory_space<vmem>>, vector<1x16xf32>,
        %get3A_65 = arith.index_cast %scan3A_32 : i32 to index
        %get3A_66 = arith.constant 32 : index
        %get3A_67 = tpu.vector_load %arg9[%get3A_65, %get3A_66] {strides = array<i32>} : memref<80x128xf32, #tpu.memory_space<vmem>>, vector<1x16xf32>,
        %get3A_68 = vector.shape_cast %get3A_67 : vector<1x16xf32> to vector<16xf32>
        %get3A_69 = arith.index_cast %scan3A_32 : i32 to index
        %get3A_70 = arith.constant 32 : index
        %get3A_71 = tpu.vector_load %arg10[%get3A_69, %get3A_70] {strides = array<i32>} : memref<80x128xf32, #tpu.memory_space<vmem>>, vector<1x16xf32>,
        %get3A_72 = vector.shape_cast %get3A_71 : vector<1x16xf32> to vector<16xf32>
        %add3A_73 = arith.addf %get3A_68, %get3A_72 : vector<16xf32>
        %max3A_74 = arith.constant 0.000000e+00 : f32
        %max3A_75 = vector.broadcast %max3A_74 : f32 to vector<16xf32>
        %max3A_76 = arith.maximumf %add3A_73, %max3A_75 : vector<16xf32>
        %swap3A_77 = arith.index_cast %scan3A_32 : i32 to index
        %swap3A_78 = arith.constant 32 : index
        %swap3A_79 = tpu.vector_load %arg9[%swap3A_77, %swap3A_78] {strides = array<i32>} : memref<80x128xf32, #tpu.memory_space<vmem>>, vector<1x16xf32>,
        %swap3A_80 = vector.shape_cast %swap3A_79 : vector<1x16xf32> to vector<16xf32>
        %swap3A_81 = vector.shape_cast %max3A_76 : vector<16xf32> to vector<1x16xf32>
        tpu.vector_store %arg9[%swap3A_77, %swap3A_78], %swap3A_81 {strides = array<i32>} : memref<80x128xf32, #tpu.memory_space<vmem>>, vector<1x16xf32>,
        %get3A_82 = arith.index_cast %scan3A_32 : i32 to index
        %get3A_83 = arith.constant 48 : index
        %get3A_84 = tpu.vector_load %arg9[%get3A_82, %get3A_83] {strides = array<i32>} : memref<80x128xf32, #tpu.memory_space<vmem>>, vector<1x16xf32>,
        %get3A_85 = vector.shape_cast %get3A_84 : vector<1x16xf32> to vector<16xf32>
        %get3A_86 = arith.index_cast %scan3A_32 : i32 to index
        %get3A_87 = arith.constant 48 : index
        %get3A_88 = tpu.vector_load %arg10[%get3A_86, %get3A_87] {strides = array<i32>} : memref<80x128xf32, #tpu.memory_space<vmem>>, vector<1x16xf32>,
        %get3A_89 = vector.shape_cast %get3A_88 : vector<1x16xf32> to vector<16xf32>
        %add3A_90 = arith.addf %get3A_85, %get3A_89 : vector<16xf32>
        %max3A_91 = arith.constant 0.000000e+00 : f32
        %max3A_92 = vector.broadcast %max3A_91 : f32 to vector<16xf32>
        %max3A_93 = arith.maximumf %add3A_90, %max3A_92 : vector<16xf32>
        %swap3A_94 = arith.index_cast %scan3A_32 : i32 to index
        %swap3A_95 = arith.constant 48 : index
        %swap3A_96 = tpu.vector_load %arg9[%swap3A_94, %swap3A_95] {strides = array<i32>} : memref<80x128xf32, #tpu.memory_space<vmem>>, vector<1x16xf32>,
        %swap3A_97 = vector.shape_cast %swap3A_96 : vector<1x16xf32> to vector<16xf32>
        %swap3A_98 = vector.shape_cast %max3A_93 : vector<16xf32> to vector<1x16xf32>
        tpu.vector_store %arg9[%swap3A_94, %swap3A_95], %swap3A_98 {strides = array<i32>} : memref<80x128xf32, #tpu.memory_space<vmem>>, vector<1x16xf32>,
        %get3A_99 = arith.index_cast %scan3A_32 : i32 to index
        %get3A_100 = arith.constant 64 : index
        %get3A_101 = tpu.vector_load %arg9[%get3A_99, %get3A_100] {strides = array<i32>} : memref<80x128xf32, #tpu.memory_space<vmem>>, vector<1x16xf32>,
        %get3A_102 = vector.shape_cast %get3A_101 : vector<1x16xf32> to vector<16xf32>
        %get3A_103 = arith.index_cast %scan3A_32 : i32 to index
        %get3A_104 = arith.constant 64 : index
        %get3A_105 = tpu.vector_load %arg10[%get3A_103, %get3A_104] {strides = array<i32>} : memref<80x128xf32, #tpu.memory_space<vmem>>, vector<1x16xf32>,
        %get3A_106 = vector.shape_cast %get3A_105 : vector<1x16xf32> to vector<16xf32>
        %add3A_107 = arith.addf %get3A_102, %get3A_106 : vector<16xf32>
        %max3A_108 = arith.constant 0.000000e+00 : f32
        %max3A_109 = vector.broadcast %max3A_108 : f32 to vector<16xf32>
        %max3A_110 = arith.maximumf %add3A_107, %max3A_109 : vector<16xf32>
        %swap3A_111 = arith.index_cast %scan3A_32 : i32 to index
        %swap3A_112 = arith.constant 64 : index
        %swap3A_113 = tpu.vector_load %arg9[%swap3A_111, %swap3A_112] {strides = array<i32>} : memref<80x128xf32, #tpu.memory_space<vmem>>, vector<1x16xf32>,
        %swap3A_114 = vector.shape_cast %swap3A_113 : vector<1x16xf32> to vector<16xf32>
        %swap3A_115 = vector.shape_cast %max3A_110 : vector<16xf32> to vector<1x16xf32>
        tpu.vector_store %arg9[%swap3A_111, %swap3A_112], %swap3A_115 {strides = array<i32>} : memref<80x128xf32, #tpu.memory_space<vmem>>, vector<1x16xf32>,
        %get3A_116 = arith.index_cast %scan3A_32 : i32 to index
        %get3A_117 = arith.constant 80 : index
        %get3A_118 = tpu.vector_load %arg9[%get3A_116, %get3A_117] {strides = array<i32>} : memref<80x128xf32, #tpu.memory_space<vmem>>, vector<1x16xf32>,
        %get3A_119 = vector.shape_cast %get3A_118 : vector<1x16xf32> to vector<16xf32>
        %get3A_120 = arith.index_cast %scan3A_32 : i32 to index
        %get3A_121 = arith.constant 80 : index
        %get3A_122 = tpu.vector_load %arg10[%get3A_120, %get3A_121] {strides = array<i32>} : memref<80x128xf32, #tpu.memory_space<vmem>>, vector<1x16xf32>,
        %get3A_123 = vector.shape_cast %get3A_122 : vector<1x16xf32> to vector<16xf32>
        %add3A_124 = arith.addf %get3A_119, %get3A_123 : vector<16xf32>
        %max3A_125 = arith.constant 0.000000e+00 : f32
        %max3A_126 = vector.broadcast %max3A_125 : f32 to vector<16xf32>
        %max3A_127 = arith.maximumf %add3A_124, %max3A_126 : vector<16xf32>
        %swap3A_128 = arith.index_cast %scan3A_32 : i32 to index
        %swap3A_129 = arith.constant 80 : index
        %swap3A_130 = tpu.vector_load %arg9[%swap3A_128, %swap3A_129] {strides = array<i32>} : memref<80x128xf32, #tpu.memory_space<vmem>>, vector<1x16xf32>,
        %swap3A_131 = vector.shape_cast %swap3A_130 : vector<1x16xf32> to vector<16xf32>
        %swap3A_132 = vector.shape_cast %max3A_127 : vector<16xf32> to vector<1x16xf32>
        tpu.vector_store %arg9[%swap3A_128, %swap3A_129], %swap3A_132 {strides = array<i32>} : memref<80x128xf32, #tpu.memory_space<vmem>>, vector<1x16xf32>,
        %get3A_133 = arith.index_cast %scan3A_32 : i32 to index
        %get3A_134 = arith.constant 96 : index
        %get3A_135 = tpu.vector_load %arg9[%get3A_133, %get3A_134] {strides = array<i32>} : memref<80x128xf32, #tpu.memory_space<vmem>>, vector<1x16xf32>,
        %get3A_136 = vector.shape_cast %get3A_135 : vector<1x16xf32> to vector<16xf32>
        %get3A_137 = arith.index_cast %scan3A_32 : i32 to index
        %get3A_138 = arith.constant 96 : index
        %get3A_139 = tpu.vector_load %arg10[%get3A_137, %get3A_138] {strides = array<i32>} : memref<80x128xf32, #tpu.memory_space<vmem>>, vector<1x16xf32>,
        %get3A_140 = vector.shape_cast %get3A_139 : vector<1x16xf32> to vector<16xf32>
        %add3A_141 = arith.addf %get3A_136, %get3A_140 : vector<16xf32>
        %max3A_142 = arith.constant 0.000000e+00 : f32
        %max3A_143 = vector.broadcast %max3A_142 : f32 to vector<16xf32>
        %max3A_144 = arith.maximumf %add3A_141, %max3A_143 : vector<16xf32>
        %swap3A_145 = arith.index_cast %scan3A_32 : i32 to index
        %swap3A_146 = arith.constant 96 : index
        %swap3A_147 = tpu.vector_load %arg9[%swap3A_145, %swap3A_146] {strides = array<i32>} : memref<80x128xf32, #tpu.memory_space<vmem>>, vector<1x16xf32>,
        %swap3A_148 = vector.shape_cast %swap3A_147 : vector<1x16xf32> to vector<16xf32>
        %swap3A_149 = vector.shape_cast %max3A_144 : vector<16xf32> to vector<1x16xf32>
        tpu.vector_store %arg9[%swap3A_145, %swap3A_146], %swap3A_149 {strides = array<i32>} : memref<80x128xf32, #tpu.memory_space<vmem>>, vector<1x16xf32>,
        %get3A_150 = arith.index_cast %scan3A_32 : i32 to index
        %get3A_151 = arith.constant 112 : index
        %get3A_152 = tpu.vector_load %arg9[%get3A_150, %get3A_151] {strides = array<i32>} : memref<80x128xf32, #tpu.memory_space<vmem>>, vector<1x16xf32>,
        %get3A_153 = vector.shape_cast %get3A_152 : vector<1x16xf32> to vector<16xf32>
        %get3A_154 = arith.index_cast %scan3A_32 : i32 to index
        %get3A_155 = arith.constant 112 : index
        %get3A_156 = tpu.vector_load %arg10[%get3A_154, %get3A_155] {strides = array<i32>} : memref<80x128xf32, #tpu.memory_space<vmem>>, vector<1x16xf32>,
        %get3A_157 = vector.shape_cast %get3A_156 : vector<1x16xf32> to vector<16xf32>
        %add3A_158 = arith.addf %get3A_153, %get3A_157 : vector<16xf32>
        %max3A_159 = arith.constant 0.000000e+00 : f32
        %max3A_160 = vector.broadcast %max3A_159 : f32 to vector<16xf32>
        %max3A_161 = arith.maximumf %add3A_158, %max3A_160 : vector<16xf32>
        %swap3A_162 = arith.index_cast %scan3A_32 : i32 to index
        %swap3A_163 = arith.constant 112 : index
        %swap3A_164 = tpu.vector_load %arg9[%swap3A_162, %swap3A_163] {strides = array<i32>} : memref<80x128xf32, #tpu.memory_space<vmem>>, vector<1x16xf32>,
        %swap3A_165 = vector.shape_cast %swap3A_164 : vector<1x16xf32> to vector<16xf32>
        %swap3A_166 = vector.shape_cast %max3A_161 : vector<16xf32> to vector<1x16xf32>
        tpu.vector_store %arg9[%swap3A_162, %swap3A_163], %swap3A_166 {strides = array<i32>} : memref<80x128xf32, #tpu.memory_space<vmem>>, vector<1x16xf32>,
        %scan3A_167 = arith.constant 0 : i32
        scf.yield %scan3A_167 : i32
      }
      %scan3A_30 = arith.constant 80 : i32
      "tpu.region"() ({
        %run_scoped3A = tpu.sem_alloc : memref<!tpu.dma_semaphore, #tpu.memory_space<semaphore_mem>>
        %dma_start3A_32 = arith.constant 0 : i32
        %dma_start3A_33 = tpu.memref_slice %arg6[%add3A_13, %dma_start3A_32] : memref<320000x128xf32, #tpu.memory_space<hbm>> -> memref<80x128xf32, #tpu.memory_space<hbm>>
        %dma_start3A_34 = arith.constant 0 : i32
        %dma_start3A_35 = tpu.memref_slice %arg6[%add3A_13, %dma_start3A_34] : memref<320000x128xf32, #tpu.memory_space<hbm>> -> memref<80x128xf32, #tpu.memory_space<hbm>>
        tpu.enqueue_dma source(%arg9 : memref<80x128xf32, #tpu.memory_space<vmem>>) target(%dma_start3A_35 : memref<80x128xf32, #tpu.memory_space<hbm>>) target_semaphore(%run_scoped3A : memref<!tpu.dma_semaphore, #tpu.memory_space<semaphore_mem>>)
        %dma_wait3A_36 = arith.constant 0 : i32
        %dma_wait3A_37 = tpu.memref_slice %arg6[%add3A_13, %dma_wait3A_36] : memref<320000x128xf32, #tpu.memory_space<hbm>> -> memref<80x128xf32, #tpu.memory_space<hbm>>
        %dma_wait3A_38 = arith.constant 0 : i32
        %dma_wait3A_39 = tpu.memref_slice %arg6[%add3A_13, %dma_wait3A_38] : memref<320000x128xf32, #tpu.memory_space<hbm>> -> memref<80x128xf32, #tpu.memory_space<hbm>>
        tpu.wait_dma2 semaphore(%run_scoped3A : memref<!tpu.dma_semaphore, #tpu.memory_space<semaphore_mem>>) src(%arg9 : memref<80x128xf32, #tpu.memory_space<vmem>>) dst(%dma_wait3A_39 : memref<80x128xf32, #tpu.memory_space<hbm>>)
        tpu.yield
      }) : () -> ()
      %scan3A_31 = arith.constant 0 : i32
      scf.yield %scan3A_31 : i32
    }
    %scan3A_8 = arith.constant 125 : i32
    return
  }
}

#map = affine_map<(d0, d1) -> (0, 0)>
#map1 = affine_map<(d0, d1) -> (0)>
#map2 = affine_map<(d0, d1) -> (0, 0, 0)>
module attributes {stable_mosaic.version = 14 : i64} {
  func.func @k(%arg0: i32, %arg1: i32, %arg2: memref<10000x64xf32, #tpu.memory_space<hbm>>, %arg3: memref<10000x64xf32, #tpu.memory_space<hbm>>, %arg4: memref<320000xi32, #tpu.memory_space<hbm>>, %arg5: memref<320000xi32, #tpu.memory_space<hbm>>, %arg6: memref<2x10112x64xf32, #tpu.memory_space<hbm>>, %arg7: memref<2x10112x64xf32, #tpu.memory_space<hbm>>, %arg8: memref<80xi32, #tpu.memory_space<vmem>>, %arg9: memref<80xi32, #tpu.memory_space<vmem>>, %arg10: memref<80x64xf32, #tpu.memory_space<vmem>>, %arg11: memref<632x64xf32, #tpu.memory_space<vmem>>, %arg12: memref<10112x64xf32, #tpu.memory_space<vmem_shared>>, %arg13: memref<!tpu.dma_semaphore, #tpu.memory_space<semaphore_mem>>) attributes {dimension_semantics = [#tpu.dimension_semantics<core_parallel>, #tpu.dimension_semantics<subcore_parallel>], iteration_bounds = array<i64: 2, 16>, scalar_prefetch = 0 : i64, scratch_operands = 6 : i64, tpu.core_type = #tpu.core_type<sc_vector_subcore>, window_params = [{transform_indices = #map}, {transform_indices = #map}, {transform_indices = #map1}, {transform_indices = #map1}, {transform_indices = #map2}, {transform_indices = #map2}]} {
    %mul3A = arith.constant 160000 : i32
    %mul3A_0 = arith.muli %arg0, %mul3A : i32
    %mul3A_1 = arith.constant 10000 : i32
    %mul3A_2 = arith.muli %arg1, %mul3A_1 : i32
    %add3A = arith.addi %mul3A_0, %mul3A_2 : i32
    %scan3A = arith.constant 0 : i32
    %scan3A_3 = arith.constant 0 : i32
    %scan3A_4 = arith.constant 632 : i32
    %scan3A_5 = arith.addi %scan3A_3, %scan3A_4 : i32
    %scan3A_6 = arith.constant 1 : i32
    %scan3A_7 = scf.for %scan3A_40 = %scan3A_3 to %scan3A_5 step %scan3A_6 iter_args(%scan3A_41 = %scan3A) -> (i32)  : i32 {
      %broadcast_in_dim3A = arith.constant 0.000000e+00 : f32
      %broadcast_in_dim3A_42 = vector.broadcast %broadcast_in_dim3A : f32 to vector<16xf32>
      %swap3A = arith.index_cast %scan3A_40 : i32 to index
      %swap3A_43 = arith.constant 0 : index
      %swap3A_44 = tpu.vector_load %arg11[%swap3A, %swap3A_43] {strides = array<i32>} : memref<632x64xf32, #tpu.memory_space<vmem>>, vector<1x16xf32>,
      %swap3A_45 = vector.shape_cast %swap3A_44 : vector<1x16xf32> to vector<16xf32>
      %swap3A_46 = vector.shape_cast %broadcast_in_dim3A_42 : vector<16xf32> to vector<1x16xf32>
      tpu.vector_store %arg11[%swap3A, %swap3A_43], %swap3A_46 {strides = array<i32>} : memref<632x64xf32, #tpu.memory_space<vmem>>, vector<1x16xf32>,
      %broadcast_in_dim3A_47 = arith.constant 0.000000e+00 : f32
      %broadcast_in_dim3A_48 = vector.broadcast %broadcast_in_dim3A_47 : f32 to vector<16xf32>
      %swap3A_49 = arith.index_cast %scan3A_40 : i32 to index
      %swap3A_50 = arith.constant 16 : index
      %swap3A_51 = tpu.vector_load %arg11[%swap3A_49, %swap3A_50] {strides = array<i32>} : memref<632x64xf32, #tpu.memory_space<vmem>>, vector<1x16xf32>,
      %swap3A_52 = vector.shape_cast %swap3A_51 : vector<1x16xf32> to vector<16xf32>
      %swap3A_53 = vector.shape_cast %broadcast_in_dim3A_48 : vector<16xf32> to vector<1x16xf32>
      tpu.vector_store %arg11[%swap3A_49, %swap3A_50], %swap3A_53 {strides = array<i32>} : memref<632x64xf32, #tpu.memory_space<vmem>>, vector<1x16xf32>,
      %broadcast_in_dim3A_54 = arith.constant 0.000000e+00 : f32
      %broadcast_in_dim3A_55 = vector.broadcast %broadcast_in_dim3A_54 : f32 to vector<16xf32>
      %swap3A_56 = arith.index_cast %scan3A_40 : i32 to index
      %swap3A_57 = arith.constant 32 : index
      %swap3A_58 = tpu.vector_load %arg11[%swap3A_56, %swap3A_57] {strides = array<i32>} : memref<632x64xf32, #tpu.memory_space<vmem>>, vector<1x16xf32>,
      %swap3A_59 = vector.shape_cast %swap3A_58 : vector<1x16xf32> to vector<16xf32>
      %swap3A_60 = vector.shape_cast %broadcast_in_dim3A_55 : vector<16xf32> to vector<1x16xf32>
      tpu.vector_store %arg11[%swap3A_56, %swap3A_57], %swap3A_60 {strides = array<i32>} : memref<632x64xf32, #tpu.memory_space<vmem>>, vector<1x16xf32>,
      %broadcast_in_dim3A_61 = arith.constant 0.000000e+00 : f32
      %broadcast_in_dim3A_62 = vector.broadcast %broadcast_in_dim3A_61 : f32 to vector<16xf32>
      %swap3A_63 = arith.index_cast %scan3A_40 : i32 to index
      %swap3A_64 = arith.constant 48 : index
      %swap3A_65 = tpu.vector_load %arg11[%swap3A_63, %swap3A_64] {strides = array<i32>} : memref<632x64xf32, #tpu.memory_space<vmem>>, vector<1x16xf32>,
      %swap3A_66 = vector.shape_cast %swap3A_65 : vector<1x16xf32> to vector<16xf32>
      %swap3A_67 = vector.shape_cast %broadcast_in_dim3A_62 : vector<16xf32> to vector<1x16xf32>
      tpu.vector_store %arg11[%swap3A_63, %swap3A_64], %swap3A_67 {strides = array<i32>} : memref<632x64xf32, #tpu.memory_space<vmem>>, vector<1x16xf32>,
      %scan3A_68 = arith.constant 0 : i32
      scf.yield %scan3A_68 : i32
    }
    %scan3A_8 = arith.constant 632 : i32
    %mul3A_9 = arith.constant 632 : i32
    %mul3A_10 = arith.muli %arg1, %mul3A_9 : i32
    "tpu.region"() ({
      %run_scoped3A = tpu.sem_alloc : memref<!tpu.dma_semaphore, #tpu.memory_space<semaphore_mem>>
      %dma_start3A = arith.constant 0 : i32
      %dma_start3A_40 = tpu.memref_slice %arg12[%mul3A_10, %dma_start3A] : memref<10112x64xf32, #tpu.memory_space<vmem_shared>> -> memref<632x64xf32, #tpu.memory_space<vmem_shared>>
      %dma_start3A_41 = arith.constant 0 : i32
      %dma_start3A_42 = tpu.memref_slice %arg12[%mul3A_10, %dma_start3A_41] : memref<10112x64xf32, #tpu.memory_space<vmem_shared>> -> memref<632x64xf32, #tpu.memory_space<vmem_shared>>
      tpu.enqueue_dma source(%arg11 : memref<632x64xf32, #tpu.memory_space<vmem>>) target(%dma_start3A_42 : memref<632x64xf32, #tpu.memory_space<vmem_shared>>) target_semaphore(%run_scoped3A : memref<!tpu.dma_semaphore, #tpu.memory_space<semaphore_mem>>)
      %dma_wait3A = arith.constant 0 : i32
      %dma_wait3A_43 = tpu.memref_slice %arg12[%mul3A_10, %dma_wait3A] : memref<10112x64xf32, #tpu.memory_space<vmem_shared>> -> memref<632x64xf32, #tpu.memory_space<vmem_shared>>
      %dma_wait3A_44 = arith.constant 0 : i32
      %dma_wait3A_45 = tpu.memref_slice %arg12[%mul3A_10, %dma_wait3A_44] : memref<10112x64xf32, #tpu.memory_space<vmem_shared>> -> memref<632x64xf32, #tpu.memory_space<vmem_shared>>
      tpu.wait_dma2 semaphore(%run_scoped3A : memref<!tpu.dma_semaphore, #tpu.memory_space<semaphore_mem>>) src(%arg11 : memref<632x64xf32, #tpu.memory_space<vmem>>) dst(%dma_wait3A_45 : memref<632x64xf32, #tpu.memory_space<vmem_shared>>)
      tpu.yield
    }) : () -> ()
    %barrier3A = arith.constant 0 : index
    tpu.barrier barrier_id(%barrier3A)
    %scan3A_11 = arith.constant 0 : i32
    %scan3A_12 = arith.constant 0 : i32
    %scan3A_13 = arith.constant 125 : i32
    %scan3A_14 = arith.addi %scan3A_12, %scan3A_13 : i32
    %scan3A_15 = arith.constant 1 : i32
    %scan3A_16 = scf.for %scan3A_40 = %scan3A_12 to %scan3A_14 step %scan3A_15 iter_args(%scan3A_41 = %scan3A_11) -> (i32)  : i32 {
      %mul3A_42 = arith.constant 80 : i32
      %mul3A_43 = arith.muli %scan3A_40, %mul3A_42 : i32
      %add3A_44 = arith.addi %add3A, %mul3A_43 : i32
      "tpu.region"() ({
        %run_scoped3A = tpu.sem_alloc : memref<!tpu.dma_semaphore, #tpu.memory_space<semaphore_mem>>
        %dma_start3A_50 = tpu.memref_slice %arg4[%add3A_44] : memref<320000xi32, #tpu.memory_space<hbm>> -> memref<80xi32, #tpu.memory_space<hbm>>
        %dma_start3A_51 = tpu.memref_slice %arg4[%add3A_44] : memref<320000xi32, #tpu.memory_space<hbm>> -> memref<80xi32, #tpu.memory_space<hbm>>
        tpu.enqueue_dma source(%dma_start3A_51 : memref<80xi32, #tpu.memory_space<hbm>>) target(%arg8 : memref<80xi32, #tpu.memory_space<vmem>>) target_semaphore(%run_scoped3A : memref<!tpu.dma_semaphore, #tpu.memory_space<semaphore_mem>>)
        %dma_wait3A_52 = tpu.memref_slice %arg4[%add3A_44] : memref<320000xi32, #tpu.memory_space<hbm>> -> memref<80xi32, #tpu.memory_space<hbm>>
        %dma_wait3A_53 = tpu.memref_slice %arg4[%add3A_44] : memref<320000xi32, #tpu.memory_space<hbm>> -> memref<80xi32, #tpu.memory_space<hbm>>
        tpu.wait_dma2 semaphore(%run_scoped3A : memref<!tpu.dma_semaphore, #tpu.memory_space<semaphore_mem>>) src(%dma_wait3A_53 : memref<80xi32, #tpu.memory_space<hbm>>) dst(%arg8 : memref<80xi32, #tpu.memory_space<vmem>>)
        tpu.yield
      }) : () -> ()
      "tpu.region"() ({
        %run_scoped3A = tpu.sem_alloc : memref<!tpu.dma_semaphore, #tpu.memory_space<semaphore_mem>>
        %dma_start3A_50 = tpu.memref_slice %arg5[%add3A_44] : memref<320000xi32, #tpu.memory_space<hbm>> -> memref<80xi32, #tpu.memory_space<hbm>>
        %dma_start3A_51 = tpu.memref_slice %arg5[%add3A_44] : memref<320000xi32, #tpu.memory_space<hbm>> -> memref<80xi32, #tpu.memory_space<hbm>>
        tpu.enqueue_dma source(%dma_start3A_51 : memref<80xi32, #tpu.memory_space<hbm>>) target(%arg9 : memref<80xi32, #tpu.memory_space<vmem>>) target_semaphore(%run_scoped3A : memref<!tpu.dma_semaphore, #tpu.memory_space<semaphore_mem>>)
        %dma_wait3A_52 = tpu.memref_slice %arg5[%add3A_44] : memref<320000xi32, #tpu.memory_space<hbm>> -> memref<80xi32, #tpu.memory_space<hbm>>
        %dma_wait3A_53 = tpu.memref_slice %arg5[%add3A_44] : memref<320000xi32, #tpu.memory_space<hbm>> -> memref<80xi32, #tpu.memory_space<hbm>>
        tpu.wait_dma2 semaphore(%run_scoped3A : memref<!tpu.dma_semaphore, #tpu.memory_space<semaphore_mem>>) src(%dma_wait3A_53 : memref<80xi32, #tpu.memory_space<hbm>>) dst(%arg9 : memref<80xi32, #tpu.memory_space<vmem>>)
        tpu.yield
      }) : () -> ()
      %dma_start3A = arith.constant 0 : i32
      %dma_start3A_45 = arith.constant 0 : i32
      %dma_start3A_46 = tpu.memref_slice %arg2[%dma_start3A, %dma_start3A_45] : memref<10000x64xf32, #tpu.memory_space<hbm>> -> memref<10000x64xf32, #tpu.memory_space<hbm>>
      tpu.enqueue_indirect_dma source(%dma_start3A_46 : memref<10000x64xf32, #tpu.memory_space<hbm>>) target(%arg10 : memref<80x64xf32, #tpu.memory_space<vmem>>) offsets(%arg8 : memref<80xi32, #tpu.memory_space<vmem>>) semaphore(%arg13 : memref<!tpu.dma_semaphore, #tpu.memory_space<semaphore_mem>>)
      %dma_wait3A = arith.constant 0 : i32
      %dma_wait3A_47 = arith.constant 0 : i32
      %dma_wait3A_48 = tpu.memref_slice %arg2[%dma_wait3A, %dma_wait3A_47] : memref<10000x64xf32, #tpu.memory_space<hbm>> -> memref<10000x64xf32, #tpu.memory_space<hbm>>
      tpu.wait_indirect_dma semaphore(%arg13 : memref<!tpu.dma_semaphore, #tpu.memory_space<semaphore_mem>>) src(%dma_wait3A_48 : memref<10000x64xf32, #tpu.memory_space<hbm>>) dst(%arg10 : memref<80x64xf32, #tpu.memory_space<vmem>>)
      "tpu.region"() ({
        %run_scoped3A = tpu.sem_alloc : memref<!tpu.dma_semaphore, #tpu.memory_space<semaphore_mem>>
        %dma_start3A_50 = arith.constant 0 : i32
        %dma_start3A_51 = arith.constant 0 : i32
        %dma_start3A_52 = tpu.memref_slice %arg12[%dma_start3A_50, %dma_start3A_51] : memref<10112x64xf32, #tpu.memory_space<vmem_shared>> -> memref<10112x64xf32, #tpu.memory_space<vmem_shared>>
        tpu.enqueue_indirect_dma source(%arg10 : memref<80x64xf32, #tpu.memory_space<vmem>>) target(%dma_start3A_52 : memref<10112x64xf32, #tpu.memory_space<vmem_shared>>) offsets(%arg9 : memref<80xi32, #tpu.memory_space<vmem>>) semaphore(%run_scoped3A : memref<!tpu.dma_semaphore, #tpu.memory_space<semaphore_mem>>) {add = true}
        %dma_wait3A_53 = arith.constant 0 : i32
        %dma_wait3A_54 = arith.constant 0 : i32
        %dma_wait3A_55 = tpu.memref_slice %arg12[%dma_wait3A_53, %dma_wait3A_54] : memref<10112x64xf32, #tpu.memory_space<vmem_shared>> -> memref<10112x64xf32, #tpu.memory_space<vmem_shared>>
        tpu.wait_indirect_dma semaphore(%run_scoped3A : memref<!tpu.dma_semaphore, #tpu.memory_space<semaphore_mem>>) src(%arg10 : memref<80x64xf32, #tpu.memory_space<vmem>>) dst(%dma_wait3A_55 : memref<10112x64xf32, #tpu.memory_space<vmem_shared>>)
        tpu.yield
      }) : () -> ()
      %scan3A_49 = arith.constant 0 : i32
      scf.yield %scan3A_49 : i32
    }
    %scan3A_17 = arith.constant 125 : i32
    %barrier3A_18 = arith.constant 0 : index
    tpu.barrier barrier_id(%barrier3A_18)
    %mul3A_19 = arith.constant 632 : i32
    %mul3A_20 = arith.muli %arg1, %mul3A_19 : i32
    %mul3A_21 = arith.constant 632 : i32
    %mul3A_22 = arith.muli %arg1, %mul3A_21 : i32
    "tpu.region"() ({
      %run_scoped3A = tpu.sem_alloc : memref<!tpu.dma_semaphore, #tpu.memory_space<semaphore_mem>>
      %dma_start3A = arith.constant 0 : i32
      %dma_start3A_40 = tpu.memref_slice %arg6[%arg0, %mul3A_22, %dma_start3A] : memref<2x10112x64xf32, #tpu.memory_space<hbm>> -> memref<1x632x64xf32, #tpu.memory_space<hbm>>
      %dma_start3A_41 = tpu.memref_squeeze %dma_start3A_40 : memref<1x632x64xf32, #tpu.memory_space<hbm>> -> memref<632x64xf32, #tpu.memory_space<hbm>>
      %dma_start3A_42 = arith.constant 0 : i32
      %dma_start3A_43 = tpu.memref_slice %arg12[%mul3A_20, %dma_start3A_42] : memref<10112x64xf32, #tpu.memory_space<vmem_shared>> -> memref<632x64xf32, #tpu.memory_space<vmem_shared>>
      tpu.enqueue_dma source(%dma_start3A_43 : memref<632x64xf32, #tpu.memory_space<vmem_shared>>) target(%dma_start3A_41 : memref<632x64xf32, #tpu.memory_space<hbm>>) target_semaphore(%run_scoped3A : memref<!tpu.dma_semaphore, #tpu.memory_space<semaphore_mem>>)
      %dma_wait3A = arith.constant 0 : i32
      %dma_wait3A_44 = tpu.memref_slice %arg6[%arg0, %mul3A_22, %dma_wait3A] : memref<2x10112x64xf32, #tpu.memory_space<hbm>> -> memref<1x632x64xf32, #tpu.memory_space<hbm>>
      %dma_wait3A_45 = tpu.memref_squeeze %dma_wait3A_44 : memref<1x632x64xf32, #tpu.memory_space<hbm>> -> memref<632x64xf32, #tpu.memory_space<hbm>>
      %dma_wait3A_46 = arith.constant 0 : i32
      %dma_wait3A_47 = tpu.memref_slice %arg12[%mul3A_20, %dma_wait3A_46] : memref<10112x64xf32, #tpu.memory_space<vmem_shared>> -> memref<632x64xf32, #tpu.memory_space<vmem_shared>>
      tpu.wait_dma2 semaphore(%run_scoped3A : memref<!tpu.dma_semaphore, #tpu.memory_space<semaphore_mem>>) src(%dma_wait3A_47 : memref<632x64xf32, #tpu.memory_space<vmem_shared>>) dst(%dma_wait3A_45 : memref<632x64xf32, #tpu.memory_space<hbm>>)
      tpu.yield
    }) : () -> ()
    %barrier3A_23 = arith.constant 0 : index
    tpu.barrier barrier_id(%barrier3A_23)
    %mul3A_24 = arith.constant 632 : i32
    %mul3A_25 = arith.muli %arg1, %mul3A_24 : i32
    "tpu.region"() ({
      %run_scoped3A = tpu.sem_alloc : memref<!tpu.dma_semaphore, #tpu.memory_space<semaphore_mem>>
      %dma_start3A = arith.constant 0 : i32
      %dma_start3A_40 = tpu.memref_slice %arg12[%mul3A_25, %dma_start3A] : memref<10112x64xf32, #tpu.memory_space<vmem_shared>> -> memref<632x64xf32, #tpu.memory_space<vmem_shared>>
      %dma_start3A_41 = arith.constant 0 : i32
      %dma_start3A_42 = tpu.memref_slice %arg12[%mul3A_25, %dma_start3A_41] : memref<10112x64xf32, #tpu.memory_space<vmem_shared>> -> memref<632x64xf32, #tpu.memory_space<vmem_shared>>
      tpu.enqueue_dma source(%arg11 : memref<632x64xf32, #tpu.memory_space<vmem>>) target(%dma_start3A_42 : memref<632x64xf32, #tpu.memory_space<vmem_shared>>) target_semaphore(%run_scoped3A : memref<!tpu.dma_semaphore, #tpu.memory_space<semaphore_mem>>)
      %dma_wait3A = arith.constant 0 : i32
      %dma_wait3A_43 = tpu.memref_slice %arg12[%mul3A_25, %dma_wait3A] : memref<10112x64xf32, #tpu.memory_space<vmem_shared>> -> memref<632x64xf32, #tpu.memory_space<vmem_shared>>
      %dma_wait3A_44 = arith.constant 0 : i32
      %dma_wait3A_45 = tpu.memref_slice %arg12[%mul3A_25, %dma_wait3A_44] : memref<10112x64xf32, #tpu.memory_space<vmem_shared>> -> memref<632x64xf32, #tpu.memory_space<vmem_shared>>
      tpu.wait_dma2 semaphore(%run_scoped3A : memref<!tpu.dma_semaphore, #tpu.memory_space<semaphore_mem>>) src(%arg11 : memref<632x64xf32, #tpu.memory_space<vmem>>) dst(%dma_wait3A_45 : memref<632x64xf32, #tpu.memory_space<vmem_shared>>)
      tpu.yield
    }) : () -> ()
    %barrier3A_26 = arith.constant 0 : index
    tpu.barrier barrier_id(%barrier3A_26)
    %scan3A_27 = arith.constant 0 : i32
    %scan3A_28 = arith.constant 0 : i32
    %scan3A_29 = arith.constant 125 : i32
    %scan3A_30 = arith.addi %scan3A_28, %scan3A_29 : i32
    %scan3A_31 = arith.constant 1 : i32
    %scan3A_32 = scf.for %scan3A_40 = %scan3A_28 to %scan3A_30 step %scan3A_31 iter_args(%scan3A_41 = %scan3A_27) -> (i32)  : i32 {
      %mul3A_42 = arith.constant 80 : i32
      %mul3A_43 = arith.muli %scan3A_40, %mul3A_42 : i32
      %add3A_44 = arith.addi %add3A, %mul3A_43 : i32
      "tpu.region"() ({
        %run_scoped3A = tpu.sem_alloc : memref<!tpu.dma_semaphore, #tpu.memory_space<semaphore_mem>>
        %dma_start3A_50 = tpu.memref_slice %arg4[%add3A_44] : memref<320000xi32, #tpu.memory_space<hbm>> -> memref<80xi32, #tpu.memory_space<hbm>>
        %dma_start3A_51 = tpu.memref_slice %arg4[%add3A_44] : memref<320000xi32, #tpu.memory_space<hbm>> -> memref<80xi32, #tpu.memory_space<hbm>>
        tpu.enqueue_dma source(%dma_start3A_51 : memref<80xi32, #tpu.memory_space<hbm>>) target(%arg8 : memref<80xi32, #tpu.memory_space<vmem>>) target_semaphore(%run_scoped3A : memref<!tpu.dma_semaphore, #tpu.memory_space<semaphore_mem>>)
        %dma_wait3A_52 = tpu.memref_slice %arg4[%add3A_44] : memref<320000xi32, #tpu.memory_space<hbm>> -> memref<80xi32, #tpu.memory_space<hbm>>
        %dma_wait3A_53 = tpu.memref_slice %arg4[%add3A_44] : memref<320000xi32, #tpu.memory_space<hbm>> -> memref<80xi32, #tpu.memory_space<hbm>>
        tpu.wait_dma2 semaphore(%run_scoped3A : memref<!tpu.dma_semaphore, #tpu.memory_space<semaphore_mem>>) src(%dma_wait3A_53 : memref<80xi32, #tpu.memory_space<hbm>>) dst(%arg8 : memref<80xi32, #tpu.memory_space<vmem>>)
        tpu.yield
      }) : () -> ()
      "tpu.region"() ({
        %run_scoped3A = tpu.sem_alloc : memref<!tpu.dma_semaphore, #tpu.memory_space<semaphore_mem>>
        %dma_start3A_50 = tpu.memref_slice %arg5[%add3A_44] : memref<320000xi32, #tpu.memory_space<hbm>> -> memref<80xi32, #tpu.memory_space<hbm>>
        %dma_start3A_51 = tpu.memref_slice %arg5[%add3A_44] : memref<320000xi32, #tpu.memory_space<hbm>> -> memref<80xi32, #tpu.memory_space<hbm>>
        tpu.enqueue_dma source(%dma_start3A_51 : memref<80xi32, #tpu.memory_space<hbm>>) target(%arg9 : memref<80xi32, #tpu.memory_space<vmem>>) target_semaphore(%run_scoped3A : memref<!tpu.dma_semaphore, #tpu.memory_space<semaphore_mem>>)
        %dma_wait3A_52 = tpu.memref_slice %arg5[%add3A_44] : memref<320000xi32, #tpu.memory_space<hbm>> -> memref<80xi32, #tpu.memory_space<hbm>>
        %dma_wait3A_53 = tpu.memref_slice %arg5[%add3A_44] : memref<320000xi32, #tpu.memory_space<hbm>> -> memref<80xi32, #tpu.memory_space<hbm>>
        tpu.wait_dma2 semaphore(%run_scoped3A : memref<!tpu.dma_semaphore, #tpu.memory_space<semaphore_mem>>) src(%dma_wait3A_53 : memref<80xi32, #tpu.memory_space<hbm>>) dst(%arg9 : memref<80xi32, #tpu.memory_space<vmem>>)
        tpu.yield
      }) : () -> ()
      %dma_start3A = arith.constant 0 : i32
      %dma_start3A_45 = arith.constant 0 : i32
      %dma_start3A_46 = tpu.memref_slice %arg3[%dma_start3A, %dma_start3A_45] : memref<10000x64xf32, #tpu.memory_space<hbm>> -> memref<10000x64xf32, #tpu.memory_space<hbm>>
      tpu.enqueue_indirect_dma source(%dma_start3A_46 : memref<10000x64xf32, #tpu.memory_space<hbm>>) target(%arg10 : memref<80x64xf32, #tpu.memory_space<vmem>>) offsets(%arg8 : memref<80xi32, #tpu.memory_space<vmem>>) semaphore(%arg13 : memref<!tpu.dma_semaphore, #tpu.memory_space<semaphore_mem>>)
      %dma_wait3A = arith.constant 0 : i32
      %dma_wait3A_47 = arith.constant 0 : i32
      %dma_wait3A_48 = tpu.memref_slice %arg3[%dma_wait3A, %dma_wait3A_47] : memref<10000x64xf32, #tpu.memory_space<hbm>> -> memref<10000x64xf32, #tpu.memory_space<hbm>>
      tpu.wait_indirect_dma semaphore(%arg13 : memref<!tpu.dma_semaphore, #tpu.memory_space<semaphore_mem>>) src(%dma_wait3A_48 : memref<10000x64xf32, #tpu.memory_space<hbm>>) dst(%arg10 : memref<80x64xf32, #tpu.memory_space<vmem>>)
      "tpu.region"() ({
        %run_scoped3A = tpu.sem_alloc : memref<!tpu.dma_semaphore, #tpu.memory_space<semaphore_mem>>
        %dma_start3A_50 = arith.constant 0 : i32
        %dma_start3A_51 = arith.constant 0 : i32
        %dma_start3A_52 = tpu.memref_slice %arg12[%dma_start3A_50, %dma_start3A_51] : memref<10112x64xf32, #tpu.memory_space<vmem_shared>> -> memref<10112x64xf32, #tpu.memory_space<vmem_shared>>
        tpu.enqueue_indirect_dma source(%arg10 : memref<80x64xf32, #tpu.memory_space<vmem>>) target(%dma_start3A_52 : memref<10112x64xf32, #tpu.memory_space<vmem_shared>>) offsets(%arg9 : memref<80xi32, #tpu.memory_space<vmem>>) semaphore(%run_scoped3A : memref<!tpu.dma_semaphore, #tpu.memory_space<semaphore_mem>>) {add = true}
        %dma_wait3A_53 = arith.constant 0 : i32
        %dma_wait3A_54 = arith.constant 0 : i32
        %dma_wait3A_55 = tpu.memref_slice %arg12[%dma_wait3A_53, %dma_wait3A_54] : memref<10112x64xf32, #tpu.memory_space<vmem_shared>> -> memref<10112x64xf32, #tpu.memory_space<vmem_shared>>
        tpu.wait_indirect_dma semaphore(%run_scoped3A : memref<!tpu.dma_semaphore, #tpu.memory_space<semaphore_mem>>) src(%arg10 : memref<80x64xf32, #tpu.memory_space<vmem>>) dst(%dma_wait3A_55 : memref<10112x64xf32, #tpu.memory_space<vmem_shared>>)
        tpu.yield
      }) : () -> ()
      %scan3A_49 = arith.constant 0 : i32
      scf.yield %scan3A_49 : i32
    }
    %scan3A_33 = arith.constant 125 : i32
    %barrier3A_34 = arith.constant 0 : index
    tpu.barrier barrier_id(%barrier3A_34)
    %mul3A_35 = arith.constant 632 : i32
    %mul3A_36 = arith.muli %arg1, %mul3A_35 : i32
    %mul3A_37 = arith.constant 632 : i32
    %mul3A_38 = arith.muli %arg1, %mul3A_37 : i32
    "tpu.region"() ({
      %run_scoped3A = tpu.sem_alloc : memref<!tpu.dma_semaphore, #tpu.memory_space<semaphore_mem>>
      %dma_start3A = arith.constant 0 : i32
      %dma_start3A_40 = tpu.memref_slice %arg7[%arg0, %mul3A_38, %dma_start3A] : memref<2x10112x64xf32, #tpu.memory_space<hbm>> -> memref<1x632x64xf32, #tpu.memory_space<hbm>>
      %dma_start3A_41 = tpu.memref_squeeze %dma_start3A_40 : memref<1x632x64xf32, #tpu.memory_space<hbm>> -> memref<632x64xf32, #tpu.memory_space<hbm>>
      %dma_start3A_42 = arith.constant 0 : i32
      %dma_start3A_43 = tpu.memref_slice %arg12[%mul3A_36, %dma_start3A_42] : memref<10112x64xf32, #tpu.memory_space<vmem_shared>> -> memref<632x64xf32, #tpu.memory_space<vmem_shared>>
      tpu.enqueue_dma source(%dma_start3A_43 : memref<632x64xf32, #tpu.memory_space<vmem_shared>>) target(%dma_start3A_41 : memref<632x64xf32, #tpu.memory_space<hbm>>) target_semaphore(%run_scoped3A : memref<!tpu.dma_semaphore, #tpu.memory_space<semaphore_mem>>)
      %dma_wait3A = arith.constant 0 : i32
      %dma_wait3A_44 = tpu.memref_slice %arg7[%arg0, %mul3A_38, %dma_wait3A] : memref<2x10112x64xf32, #tpu.memory_space<hbm>> -> memref<1x632x64xf32, #tpu.memory_space<hbm>>
      %dma_wait3A_45 = tpu.memref_squeeze %dma_wait3A_44 : memref<1x632x64xf32, #tpu.memory_space<hbm>> -> memref<632x64xf32, #tpu.memory_space<hbm>>
      %dma_wait3A_46 = arith.constant 0 : i32
      %dma_wait3A_47 = tpu.memref_slice %arg12[%mul3A_36, %dma_wait3A_46] : memref<10112x64xf32, #tpu.memory_space<vmem_shared>> -> memref<632x64xf32, #tpu.memory_space<vmem_shared>>
      tpu.wait_dma2 semaphore(%run_scoped3A : memref<!tpu.dma_semaphore, #tpu.memory_space<semaphore_mem>>) src(%dma_wait3A_47 : memref<632x64xf32, #tpu.memory_space<vmem_shared>>) dst(%dma_wait3A_45 : memref<632x64xf32, #tpu.memory_space<hbm>>)
      tpu.yield
    }) : () -> ()
    %barrier3A_39 = arith.constant 0 : index
    tpu.barrier barrier_id(%barrier3A_39)
    return
  }
}

#map = affine_map<(d0, d1) -> (0)>
#map1 = affine_map<(d0, d1) -> (0, 0, 0)>
module attributes {stable_mosaic.version = 14 : i64} {
  func.func @k(%arg0: i32, %arg1: i32, %arg2: memref<320000xi32, #tpu.memory_space<hbm>>, %arg3: memref<2x10112x16xf32, #tpu.memory_space<hbm>>, %arg4: memref<80xi32, #tpu.memory_space<vmem>>, %arg5: memref<80x16xf32, #tpu.memory_space<vmem>>, %arg6: memref<632x16xf32, #tpu.memory_space<vmem>>, %arg7: memref<10112x16xf32, #tpu.memory_space<vmem_shared>>) attributes {dimension_semantics = [#tpu.dimension_semantics<core_parallel>, #tpu.dimension_semantics<subcore_parallel>], iteration_bounds = array<i64: 2, 16>, scalar_prefetch = 0 : i64, scratch_operands = 4 : i64, tpu.core_type = #tpu.core_type<sc_vector_subcore>, window_params = [{transform_indices = #map}, {transform_indices = #map1}]} {
    %mul3A = arith.constant 160000 : i32
    %mul3A_0 = arith.muli %arg0, %mul3A : i32
    %mul3A_1 = arith.constant 10000 : i32
    %mul3A_2 = arith.muli %arg1, %mul3A_1 : i32
    %add3A = arith.addi %mul3A_0, %mul3A_2 : i32
    %scan3A = arith.constant 0 : i32
    %scan3A_3 = arith.constant 0 : i32
    %scan3A_4 = arith.constant 632 : i32
    %scan3A_5 = arith.addi %scan3A_3, %scan3A_4 : i32
    %scan3A_6 = arith.constant 1 : i32
    %scan3A_7 = scf.for %scan3A_30 = %scan3A_3 to %scan3A_5 step %scan3A_6 iter_args(%scan3A_31 = %scan3A) -> (i32)  : i32 {
      %broadcast_in_dim3A = arith.constant 0.000000e+00 : f32
      %broadcast_in_dim3A_32 = vector.broadcast %broadcast_in_dim3A : f32 to vector<16xf32>
      %swap3A = arith.index_cast %scan3A_30 : i32 to index
      %swap3A_33 = arith.constant 0 : index
      %swap3A_34 = tpu.vector_load %arg6[%swap3A, %swap3A_33] {strides = array<i32>} : memref<632x16xf32, #tpu.memory_space<vmem>>, vector<1x16xf32>,
      %swap3A_35 = vector.shape_cast %swap3A_34 : vector<1x16xf32> to vector<16xf32>
      %swap3A_36 = vector.shape_cast %broadcast_in_dim3A_32 : vector<16xf32> to vector<1x16xf32>
      tpu.vector_store %arg6[%swap3A, %swap3A_33], %swap3A_36 {strides = array<i32>} : memref<632x16xf32, #tpu.memory_space<vmem>>, vector<1x16xf32>,
      %scan3A_37 = arith.constant 0 : i32
      scf.yield %scan3A_37 : i32
    }
    %scan3A_8 = arith.constant 632 : i32
    %scan3A_9 = arith.constant 0 : i32
    %scan3A_10 = arith.constant 0 : i32
    %scan3A_11 = arith.constant 80 : i32
    %scan3A_12 = arith.addi %scan3A_10, %scan3A_11 : i32
    %scan3A_13 = arith.constant 1 : i32
    %scan3A_14 = scf.for %scan3A_30 = %scan3A_10 to %scan3A_12 step %scan3A_13 iter_args(%scan3A_31 = %scan3A_9) -> (i32)  : i32 {
      %broadcast_in_dim3A = arith.constant 1.000000e+00 : f32
      %broadcast_in_dim3A_32 = vector.broadcast %broadcast_in_dim3A : f32 to vector<16xf32>
      %swap3A = arith.index_cast %scan3A_30 : i32 to index
      %swap3A_33 = arith.constant 0 : index
      %swap3A_34 = tpu.vector_load %arg5[%swap3A, %swap3A_33] {strides = array<i32>} : memref<80x16xf32, #tpu.memory_space<vmem>>, vector<1x16xf32>,
      %swap3A_35 = vector.shape_cast %swap3A_34 : vector<1x16xf32> to vector<16xf32>
      %swap3A_36 = vector.shape_cast %broadcast_in_dim3A_32 : vector<16xf32> to vector<1x16xf32>
      tpu.vector_store %arg5[%swap3A, %swap3A_33], %swap3A_36 {strides = array<i32>} : memref<80x16xf32, #tpu.memory_space<vmem>>, vector<1x16xf32>,
      %scan3A_37 = arith.constant 0 : i32
      scf.yield %scan3A_37 : i32
    }
    %scan3A_15 = arith.constant 80 : i32
    %mul3A_16 = arith.constant 632 : i32
    %mul3A_17 = arith.muli %arg1, %mul3A_16 : i32
    "tpu.region"() ({
      %run_scoped3A = tpu.sem_alloc : memref<!tpu.dma_semaphore, #tpu.memory_space<semaphore_mem>>
      %dma_start3A = arith.constant 0 : i32
      %dma_start3A_30 = tpu.memref_slice %arg7[%mul3A_17, %dma_start3A] : memref<10112x16xf32, #tpu.memory_space<vmem_shared>> -> memref<632x16xf32, #tpu.memory_space<vmem_shared>>
      %dma_start3A_31 = arith.constant 0 : i32
      %dma_start3A_32 = tpu.memref_slice %arg7[%mul3A_17, %dma_start3A_31] : memref<10112x16xf32, #tpu.memory_space<vmem_shared>> -> memref<632x16xf32, #tpu.memory_space<vmem_shared>>
      tpu.enqueue_dma source(%arg6 : memref<632x16xf32, #tpu.memory_space<vmem>>) target(%dma_start3A_32 : memref<632x16xf32, #tpu.memory_space<vmem_shared>>) target_semaphore(%run_scoped3A : memref<!tpu.dma_semaphore, #tpu.memory_space<semaphore_mem>>)
      %dma_wait3A = arith.constant 0 : i32
      %dma_wait3A_33 = tpu.memref_slice %arg7[%mul3A_17, %dma_wait3A] : memref<10112x16xf32, #tpu.memory_space<vmem_shared>> -> memref<632x16xf32, #tpu.memory_space<vmem_shared>>
      %dma_wait3A_34 = arith.constant 0 : i32
      %dma_wait3A_35 = tpu.memref_slice %arg7[%mul3A_17, %dma_wait3A_34] : memref<10112x16xf32, #tpu.memory_space<vmem_shared>> -> memref<632x16xf32, #tpu.memory_space<vmem_shared>>
      tpu.wait_dma2 semaphore(%run_scoped3A : memref<!tpu.dma_semaphore, #tpu.memory_space<semaphore_mem>>) src(%arg6 : memref<632x16xf32, #tpu.memory_space<vmem>>) dst(%dma_wait3A_35 : memref<632x16xf32, #tpu.memory_space<vmem_shared>>)
      tpu.yield
    }) : () -> ()
    %barrier3A = arith.constant 0 : index
    tpu.barrier barrier_id(%barrier3A)
    %scan3A_18 = arith.constant 0 : i32
    %scan3A_19 = arith.constant 0 : i32
    %scan3A_20 = arith.constant 125 : i32
    %scan3A_21 = arith.addi %scan3A_19, %scan3A_20 : i32
    %scan3A_22 = arith.constant 1 : i32
    %scan3A_23 = scf.for %scan3A_30 = %scan3A_19 to %scan3A_21 step %scan3A_22 iter_args(%scan3A_31 = %scan3A_18) -> (i32)  : i32 {
      %mul3A_32 = arith.constant 80 : i32
      %mul3A_33 = arith.muli %scan3A_30, %mul3A_32 : i32
      %add3A_34 = arith.addi %add3A, %mul3A_33 : i32
      "tpu.region"() ({
        %run_scoped3A = tpu.sem_alloc : memref<!tpu.dma_semaphore, #tpu.memory_space<semaphore_mem>>
        %dma_start3A = tpu.memref_slice %arg2[%add3A_34] : memref<320000xi32, #tpu.memory_space<hbm>> -> memref<80xi32, #tpu.memory_space<hbm>>
        %dma_start3A_36 = tpu.memref_slice %arg2[%add3A_34] : memref<320000xi32, #tpu.memory_space<hbm>> -> memref<80xi32, #tpu.memory_space<hbm>>
        tpu.enqueue_dma source(%dma_start3A_36 : memref<80xi32, #tpu.memory_space<hbm>>) target(%arg4 : memref<80xi32, #tpu.memory_space<vmem>>) target_semaphore(%run_scoped3A : memref<!tpu.dma_semaphore, #tpu.memory_space<semaphore_mem>>)
        %dma_wait3A = tpu.memref_slice %arg2[%add3A_34] : memref<320000xi32, #tpu.memory_space<hbm>> -> memref<80xi32, #tpu.memory_space<hbm>>
        %dma_wait3A_37 = tpu.memref_slice %arg2[%add3A_34] : memref<320000xi32, #tpu.memory_space<hbm>> -> memref<80xi32, #tpu.memory_space<hbm>>
        tpu.wait_dma2 semaphore(%run_scoped3A : memref<!tpu.dma_semaphore, #tpu.memory_space<semaphore_mem>>) src(%dma_wait3A_37 : memref<80xi32, #tpu.memory_space<hbm>>) dst(%arg4 : memref<80xi32, #tpu.memory_space<vmem>>)
        tpu.yield
      }) : () -> ()
      "tpu.region"() ({
        %run_scoped3A = tpu.sem_alloc : memref<!tpu.dma_semaphore, #tpu.memory_space<semaphore_mem>>
        %dma_start3A = arith.constant 0 : i32
        %dma_start3A_36 = arith.constant 0 : i32
        %dma_start3A_37 = tpu.memref_slice %arg7[%dma_start3A, %dma_start3A_36] : memref<10112x16xf32, #tpu.memory_space<vmem_shared>> -> memref<10112x16xf32, #tpu.memory_space<vmem_shared>>
        tpu.enqueue_indirect_dma source(%arg5 : memref<80x16xf32, #tpu.memory_space<vmem>>) target(%dma_start3A_37 : memref<10112x16xf32, #tpu.memory_space<vmem_shared>>) offsets(%arg4 : memref<80xi32, #tpu.memory_space<vmem>>) semaphore(%run_scoped3A : memref<!tpu.dma_semaphore, #tpu.memory_space<semaphore_mem>>) {add = true}
        %dma_wait3A = arith.constant 0 : i32
        %dma_wait3A_38 = arith.constant 0 : i32
        %dma_wait3A_39 = tpu.memref_slice %arg7[%dma_wait3A, %dma_wait3A_38] : memref<10112x16xf32, #tpu.memory_space<vmem_shared>> -> memref<10112x16xf32, #tpu.memory_space<vmem_shared>>
        tpu.wait_indirect_dma semaphore(%run_scoped3A : memref<!tpu.dma_semaphore, #tpu.memory_space<semaphore_mem>>) src(%arg5 : memref<80x16xf32, #tpu.memory_space<vmem>>) dst(%dma_wait3A_39 : memref<10112x16xf32, #tpu.memory_space<vmem_shared>>)
        tpu.yield
      }) : () -> ()
      %scan3A_35 = arith.constant 0 : i32
      scf.yield %scan3A_35 : i32
    }
    %scan3A_24 = arith.constant 125 : i32
    %barrier3A_25 = arith.constant 0 : index
    tpu.barrier barrier_id(%barrier3A_25)
    %mul3A_26 = arith.constant 632 : i32
    %mul3A_27 = arith.muli %arg1, %mul3A_26 : i32
    %mul3A_28 = arith.constant 632 : i32
    %mul3A_29 = arith.muli %arg1, %mul3A_28 : i32
    "tpu.region"() ({
      %run_scoped3A = tpu.sem_alloc : memref<!tpu.dma_semaphore, #tpu.memory_space<semaphore_mem>>
      %dma_start3A = arith.constant 0 : i32
      %dma_start3A_30 = tpu.memref_slice %arg3[%arg0, %mul3A_29, %dma_start3A] : memref<2x10112x16xf32, #tpu.memory_space<hbm>> -> memref<1x632x16xf32, #tpu.memory_space<hbm>>
      %dma_start3A_31 = tpu.memref_squeeze %dma_start3A_30 : memref<1x632x16xf32, #tpu.memory_space<hbm>> -> memref<632x16xf32, #tpu.memory_space<hbm>>
      %dma_start3A_32 = arith.constant 0 : i32
      %dma_start3A_33 = tpu.memref_slice %arg7[%mul3A_27, %dma_start3A_32] : memref<10112x16xf32, #tpu.memory_space<vmem_shared>> -> memref<632x16xf32, #tpu.memory_space<vmem_shared>>
      tpu.enqueue_dma source(%dma_start3A_33 : memref<632x16xf32, #tpu.memory_space<vmem_shared>>) target(%dma_start3A_31 : memref<632x16xf32, #tpu.memory_space<hbm>>) target_semaphore(%run_scoped3A : memref<!tpu.dma_semaphore, #tpu.memory_space<semaphore_mem>>)
      %dma_wait3A = arith.constant 0 : i32
      %dma_wait3A_34 = tpu.memref_slice %arg3[%arg0, %mul3A_29, %dma_wait3A] : memref<2x10112x16xf32, #tpu.memory_space<hbm>> -> memref<1x632x16xf32, #tpu.memory_space<hbm>>
      %dma_wait3A_35 = tpu.memref_squeeze %dma_wait3A_34 : memref<1x632x16xf32, #tpu.memory_space<hbm>> -> memref<632x16xf32, #tpu.memory_space<hbm>>
      %dma_wait3A_36 = arith.constant 0 : i32
      %dma_wait3A_37 = tpu.memref_slice %arg7[%mul3A_27, %dma_wait3A_36] : memref<10112x16xf32, #tpu.memory_space<vmem_shared>> -> memref<632x16xf32, #tpu.memory_space<vmem_shared>>
      tpu.wait_dma2 semaphore(%run_scoped3A : memref<!tpu.dma_semaphore, #tpu.memory_space<semaphore_mem>>) src(%dma_wait3A_37 : memref<632x16xf32, #tpu.memory_space<vmem_shared>>) dst(%dma_wait3A_35 : memref<632x16xf32, #tpu.memory_space<hbm>>)
      tpu.yield
    }) : () -> ()
    return
  }
}

#map = affine_map<(d0, d1) -> (0, 0)>
#map1 = affine_map<(d0, d1) -> (0)>
#map2 = affine_map<(d0, d1) -> (0, 0, 0)>
module attributes {stable_mosaic.version = 14 : i64} {
  func.func @k(%arg0: i32, %arg1: i32, %arg2: memref<10000x64xf32, #tpu.memory_space<hbm>>, %arg3: memref<10000x64xf32, #tpu.memory_space<hbm>>, %arg4: memref<320000xi32, #tpu.memory_space<hbm>>, %arg5: memref<320000xi32, #tpu.memory_space<hbm>>, %arg6: memref<2x10112x64xf32, #tpu.memory_space<hbm>>, %arg7: memref<2x10112x64xf32, #tpu.memory_space<hbm>>, %arg8: memref<80xi32, #tpu.memory_space<vmem>>, %arg9: memref<80xi32, #tpu.memory_space<vmem>>, %arg10: memref<80x64xf32, #tpu.memory_space<vmem>>, %arg11: memref<632x64xf32, #tpu.memory_space<vmem>>, %arg12: memref<10112x64xf32, #tpu.memory_space<vmem_shared>>, %arg13: memref<!tpu.dma_semaphore, #tpu.memory_space<semaphore_mem>>) attributes {dimension_semantics = [#tpu.dimension_semantics<core_parallel>, #tpu.dimension_semantics<subcore_parallel>], iteration_bounds = array<i64: 2, 16>, scalar_prefetch = 0 : i64, scratch_operands = 6 : i64, tpu.core_type = #tpu.core_type<sc_vector_subcore>, window_params = [{transform_indices = #map}, {transform_indices = #map}, {transform_indices = #map1}, {transform_indices = #map1}, {transform_indices = #map2}, {transform_indices = #map2}]} {
    %mul3A = arith.constant 160000 : i32
    %mul3A_0 = arith.muli %arg0, %mul3A : i32
    %mul3A_1 = arith.constant 10000 : i32
    %mul3A_2 = arith.muli %arg1, %mul3A_1 : i32
    %add3A = arith.addi %mul3A_0, %mul3A_2 : i32
    %scan3A = arith.constant 0 : i32
    %scan3A_3 = arith.constant 0 : i32
    %scan3A_4 = arith.constant 632 : i32
    %scan3A_5 = arith.addi %scan3A_3, %scan3A_4 : i32
    %scan3A_6 = arith.constant 1 : i32
    %scan3A_7 = scf.for %scan3A_40 = %scan3A_3 to %scan3A_5 step %scan3A_6 iter_args(%scan3A_41 = %scan3A) -> (i32)  : i32 {
      %broadcast_in_dim3A = arith.constant 0.000000e+00 : f32
      %broadcast_in_dim3A_42 = vector.broadcast %broadcast_in_dim3A : f32 to vector<16xf32>
      %swap3A = arith.index_cast %scan3A_40 : i32 to index
      %swap3A_43 = arith.constant 0 : index
      %swap3A_44 = tpu.vector_load %arg11[%swap3A, %swap3A_43] {strides = array<i32>} : memref<632x64xf32, #tpu.memory_space<vmem>>, vector<1x16xf32>,
      %swap3A_45 = vector.shape_cast %swap3A_44 : vector<1x16xf32> to vector<16xf32>
      %swap3A_46 = vector.shape_cast %broadcast_in_dim3A_42 : vector<16xf32> to vector<1x16xf32>
      tpu.vector_store %arg11[%swap3A, %swap3A_43], %swap3A_46 {strides = array<i32>} : memref<632x64xf32, #tpu.memory_space<vmem>>, vector<1x16xf32>,
      %broadcast_in_dim3A_47 = arith.constant 0.000000e+00 : f32
      %broadcast_in_dim3A_48 = vector.broadcast %broadcast_in_dim3A_47 : f32 to vector<16xf32>
      %swap3A_49 = arith.index_cast %scan3A_40 : i32 to index
      %swap3A_50 = arith.constant 16 : index
      %swap3A_51 = tpu.vector_load %arg11[%swap3A_49, %swap3A_50] {strides = array<i32>} : memref<632x64xf32, #tpu.memory_space<vmem>>, vector<1x16xf32>,
      %swap3A_52 = vector.shape_cast %swap3A_51 : vector<1x16xf32> to vector<16xf32>
      %swap3A_53 = vector.shape_cast %broadcast_in_dim3A_48 : vector<16xf32> to vector<1x16xf32>
      tpu.vector_store %arg11[%swap3A_49, %swap3A_50], %swap3A_53 {strides = array<i32>} : memref<632x64xf32, #tpu.memory_space<vmem>>, vector<1x16xf32>,
      %broadcast_in_dim3A_54 = arith.constant 0.000000e+00 : f32
      %broadcast_in_dim3A_55 = vector.broadcast %broadcast_in_dim3A_54 : f32 to vector<16xf32>
      %swap3A_56 = arith.index_cast %scan3A_40 : i32 to index
      %swap3A_57 = arith.constant 32 : index
      %swap3A_58 = tpu.vector_load %arg11[%swap3A_56, %swap3A_57] {strides = array<i32>} : memref<632x64xf32, #tpu.memory_space<vmem>>, vector<1x16xf32>,
      %swap3A_59 = vector.shape_cast %swap3A_58 : vector<1x16xf32> to vector<16xf32>
      %swap3A_60 = vector.shape_cast %broadcast_in_dim3A_55 : vector<16xf32> to vector<1x16xf32>
      tpu.vector_store %arg11[%swap3A_56, %swap3A_57], %swap3A_60 {strides = array<i32>} : memref<632x64xf32, #tpu.memory_space<vmem>>, vector<1x16xf32>,
      %broadcast_in_dim3A_61 = arith.constant 0.000000e+00 : f32
      %broadcast_in_dim3A_62 = vector.broadcast %broadcast_in_dim3A_61 : f32 to vector<16xf32>
      %swap3A_63 = arith.index_cast %scan3A_40 : i32 to index
      %swap3A_64 = arith.constant 48 : index
      %swap3A_65 = tpu.vector_load %arg11[%swap3A_63, %swap3A_64] {strides = array<i32>} : memref<632x64xf32, #tpu.memory_space<vmem>>, vector<1x16xf32>,
      %swap3A_66 = vector.shape_cast %swap3A_65 : vector<1x16xf32> to vector<16xf32>
      %swap3A_67 = vector.shape_cast %broadcast_in_dim3A_62 : vector<16xf32> to vector<1x16xf32>
      tpu.vector_store %arg11[%swap3A_63, %swap3A_64], %swap3A_67 {strides = array<i32>} : memref<632x64xf32, #tpu.memory_space<vmem>>, vector<1x16xf32>,
      %scan3A_68 = arith.constant 0 : i32
      scf.yield %scan3A_68 : i32
    }
    %scan3A_8 = arith.constant 632 : i32
    %mul3A_9 = arith.constant 632 : i32
    %mul3A_10 = arith.muli %arg1, %mul3A_9 : i32
    "tpu.region"() ({
      %run_scoped3A = tpu.sem_alloc : memref<!tpu.dma_semaphore, #tpu.memory_space<semaphore_mem>>
      %dma_start3A = arith.constant 0 : i32
      %dma_start3A_40 = tpu.memref_slice %arg12[%mul3A_10, %dma_start3A] : memref<10112x64xf32, #tpu.memory_space<vmem_shared>> -> memref<632x64xf32, #tpu.memory_space<vmem_shared>>
      %dma_start3A_41 = arith.constant 0 : i32
      %dma_start3A_42 = tpu.memref_slice %arg12[%mul3A_10, %dma_start3A_41] : memref<10112x64xf32, #tpu.memory_space<vmem_shared>> -> memref<632x64xf32, #tpu.memory_space<vmem_shared>>
      tpu.enqueue_dma source(%arg11 : memref<632x64xf32, #tpu.memory_space<vmem>>) target(%dma_start3A_42 : memref<632x64xf32, #tpu.memory_space<vmem_shared>>) target_semaphore(%run_scoped3A : memref<!tpu.dma_semaphore, #tpu.memory_space<semaphore_mem>>)
      %dma_wait3A = arith.constant 0 : i32
      %dma_wait3A_43 = tpu.memref_slice %arg12[%mul3A_10, %dma_wait3A] : memref<10112x64xf32, #tpu.memory_space<vmem_shared>> -> memref<632x64xf32, #tpu.memory_space<vmem_shared>>
      %dma_wait3A_44 = arith.constant 0 : i32
      %dma_wait3A_45 = tpu.memref_slice %arg12[%mul3A_10, %dma_wait3A_44] : memref<10112x64xf32, #tpu.memory_space<vmem_shared>> -> memref<632x64xf32, #tpu.memory_space<vmem_shared>>
      tpu.wait_dma2 semaphore(%run_scoped3A : memref<!tpu.dma_semaphore, #tpu.memory_space<semaphore_mem>>) src(%arg11 : memref<632x64xf32, #tpu.memory_space<vmem>>) dst(%dma_wait3A_45 : memref<632x64xf32, #tpu.memory_space<vmem_shared>>)
      tpu.yield
    }) : () -> ()
    %barrier3A = arith.constant 0 : index
    tpu.barrier barrier_id(%barrier3A)
    %scan3A_11 = arith.constant 0 : i32
    %scan3A_12 = arith.constant 0 : i32
    %scan3A_13 = arith.constant 125 : i32
    %scan3A_14 = arith.addi %scan3A_12, %scan3A_13 : i32
    %scan3A_15 = arith.constant 1 : i32
    %scan3A_16 = scf.for %scan3A_40 = %scan3A_12 to %scan3A_14 step %scan3A_15 iter_args(%scan3A_41 = %scan3A_11) -> (i32)  : i32 {
      %mul3A_42 = arith.constant 80 : i32
      %mul3A_43 = arith.muli %scan3A_40, %mul3A_42 : i32
      %add3A_44 = arith.addi %add3A, %mul3A_43 : i32
      "tpu.region"() ({
        %run_scoped3A = tpu.sem_alloc : memref<!tpu.dma_semaphore, #tpu.memory_space<semaphore_mem>>
        %dma_start3A_50 = tpu.memref_slice %arg4[%add3A_44] : memref<320000xi32, #tpu.memory_space<hbm>> -> memref<80xi32, #tpu.memory_space<hbm>>
        %dma_start3A_51 = tpu.memref_slice %arg4[%add3A_44] : memref<320000xi32, #tpu.memory_space<hbm>> -> memref<80xi32, #tpu.memory_space<hbm>>
        tpu.enqueue_dma source(%dma_start3A_51 : memref<80xi32, #tpu.memory_space<hbm>>) target(%arg8 : memref<80xi32, #tpu.memory_space<vmem>>) target_semaphore(%run_scoped3A : memref<!tpu.dma_semaphore, #tpu.memory_space<semaphore_mem>>)
        %dma_wait3A_52 = tpu.memref_slice %arg4[%add3A_44] : memref<320000xi32, #tpu.memory_space<hbm>> -> memref<80xi32, #tpu.memory_space<hbm>>
        %dma_wait3A_53 = tpu.memref_slice %arg4[%add3A_44] : memref<320000xi32, #tpu.memory_space<hbm>> -> memref<80xi32, #tpu.memory_space<hbm>>
        tpu.wait_dma2 semaphore(%run_scoped3A : memref<!tpu.dma_semaphore, #tpu.memory_space<semaphore_mem>>) src(%dma_wait3A_53 : memref<80xi32, #tpu.memory_space<hbm>>) dst(%arg8 : memref<80xi32, #tpu.memory_space<vmem>>)
        tpu.yield
      }) : () -> ()
      "tpu.region"() ({
        %run_scoped3A = tpu.sem_alloc : memref<!tpu.dma_semaphore, #tpu.memory_space<semaphore_mem>>
        %dma_start3A_50 = tpu.memref_slice %arg5[%add3A_44] : memref<320000xi32, #tpu.memory_space<hbm>> -> memref<80xi32, #tpu.memory_space<hbm>>
        %dma_start3A_51 = tpu.memref_slice %arg5[%add3A_44] : memref<320000xi32, #tpu.memory_space<hbm>> -> memref<80xi32, #tpu.memory_space<hbm>>
        tpu.enqueue_dma source(%dma_start3A_51 : memref<80xi32, #tpu.memory_space<hbm>>) target(%arg9 : memref<80xi32, #tpu.memory_space<vmem>>) target_semaphore(%run_scoped3A : memref<!tpu.dma_semaphore, #tpu.memory_space<semaphore_mem>>)
        %dma_wait3A_52 = tpu.memref_slice %arg5[%add3A_44] : memref<320000xi32, #tpu.memory_space<hbm>> -> memref<80xi32, #tpu.memory_space<hbm>>
        %dma_wait3A_53 = tpu.memref_slice %arg5[%add3A_44] : memref<320000xi32, #tpu.memory_space<hbm>> -> memref<80xi32, #tpu.memory_space<hbm>>
        tpu.wait_dma2 semaphore(%run_scoped3A : memref<!tpu.dma_semaphore, #tpu.memory_space<semaphore_mem>>) src(%dma_wait3A_53 : memref<80xi32, #tpu.memory_space<hbm>>) dst(%arg9 : memref<80xi32, #tpu.memory_space<vmem>>)
        tpu.yield
      }) : () -> ()
      %dma_start3A = arith.constant 0 : i32
      %dma_start3A_45 = arith.constant 0 : i32
      %dma_start3A_46 = tpu.memref_slice %arg2[%dma_start3A, %dma_start3A_45] : memref<10000x64xf32, #tpu.memory_space<hbm>> -> memref<10000x64xf32, #tpu.memory_space<hbm>>
      tpu.enqueue_indirect_dma source(%dma_start3A_46 : memref<10000x64xf32, #tpu.memory_space<hbm>>) target(%arg10 : memref<80x64xf32, #tpu.memory_space<vmem>>) offsets(%arg8 : memref<80xi32, #tpu.memory_space<vmem>>) semaphore(%arg13 : memref<!tpu.dma_semaphore, #tpu.memory_space<semaphore_mem>>)
      %dma_wait3A = arith.constant 0 : i32
      %dma_wait3A_47 = arith.constant 0 : i32
      %dma_wait3A_48 = tpu.memref_slice %arg2[%dma_wait3A, %dma_wait3A_47] : memref<10000x64xf32, #tpu.memory_space<hbm>> -> memref<10000x64xf32, #tpu.memory_space<hbm>>
      tpu.wait_indirect_dma semaphore(%arg13 : memref<!tpu.dma_semaphore, #tpu.memory_space<semaphore_mem>>) src(%dma_wait3A_48 : memref<10000x64xf32, #tpu.memory_space<hbm>>) dst(%arg10 : memref<80x64xf32, #tpu.memory_space<vmem>>)
      "tpu.region"() ({
        %run_scoped3A = tpu.sem_alloc : memref<!tpu.dma_semaphore, #tpu.memory_space<semaphore_mem>>
        %dma_start3A_50 = arith.constant 0 : i32
        %dma_start3A_51 = arith.constant 0 : i32
        %dma_start3A_52 = tpu.memref_slice %arg12[%dma_start3A_50, %dma_start3A_51] : memref<10112x64xf32, #tpu.memory_space<vmem_shared>> -> memref<10112x64xf32, #tpu.memory_space<vmem_shared>>
        tpu.enqueue_indirect_dma source(%arg10 : memref<80x64xf32, #tpu.memory_space<vmem>>) target(%dma_start3A_52 : memref<10112x64xf32, #tpu.memory_space<vmem_shared>>) offsets(%arg9 : memref<80xi32, #tpu.memory_space<vmem>>) semaphore(%run_scoped3A : memref<!tpu.dma_semaphore, #tpu.memory_space<semaphore_mem>>) {add = true}
        %dma_wait3A_53 = arith.constant 0 : i32
        %dma_wait3A_54 = arith.constant 0 : i32
        %dma_wait3A_55 = tpu.memref_slice %arg12[%dma_wait3A_53, %dma_wait3A_54] : memref<10112x64xf32, #tpu.memory_space<vmem_shared>> -> memref<10112x64xf32, #tpu.memory_space<vmem_shared>>
        tpu.wait_indirect_dma semaphore(%run_scoped3A : memref<!tpu.dma_semaphore, #tpu.memory_space<semaphore_mem>>) src(%arg10 : memref<80x64xf32, #tpu.memory_space<vmem>>) dst(%dma_wait3A_55 : memref<10112x64xf32, #tpu.memory_space<vmem_shared>>)
        tpu.yield
      }) : () -> ()
      %scan3A_49 = arith.constant 0 : i32
      scf.yield %scan3A_49 : i32
    }
    %scan3A_17 = arith.constant 125 : i32
    %barrier3A_18 = arith.constant 0 : index
    tpu.barrier barrier_id(%barrier3A_18)
    %mul3A_19 = arith.constant 632 : i32
    %mul3A_20 = arith.muli %arg1, %mul3A_19 : i32
    %mul3A_21 = arith.constant 632 : i32
    %mul3A_22 = arith.muli %arg1, %mul3A_21 : i32
    "tpu.region"() ({
      %run_scoped3A = tpu.sem_alloc : memref<!tpu.dma_semaphore, #tpu.memory_space<semaphore_mem>>
      %dma_start3A = arith.constant 0 : i32
      %dma_start3A_40 = tpu.memref_slice %arg6[%arg0, %mul3A_22, %dma_start3A] : memref<2x10112x64xf32, #tpu.memory_space<hbm>> -> memref<1x632x64xf32, #tpu.memory_space<hbm>>
      %dma_start3A_41 = tpu.memref_squeeze %dma_start3A_40 : memref<1x632x64xf32, #tpu.memory_space<hbm>> -> memref<632x64xf32, #tpu.memory_space<hbm>>
      %dma_start3A_42 = arith.constant 0 : i32
      %dma_start3A_43 = tpu.memref_slice %arg12[%mul3A_20, %dma_start3A_42] : memref<10112x64xf32, #tpu.memory_space<vmem_shared>> -> memref<632x64xf32, #tpu.memory_space<vmem_shared>>
      tpu.enqueue_dma source(%dma_start3A_43 : memref<632x64xf32, #tpu.memory_space<vmem_shared>>) target(%dma_start3A_41 : memref<632x64xf32, #tpu.memory_space<hbm>>) target_semaphore(%run_scoped3A : memref<!tpu.dma_semaphore, #tpu.memory_space<semaphore_mem>>)
      %dma_wait3A = arith.constant 0 : i32
      %dma_wait3A_44 = tpu.memref_slice %arg6[%arg0, %mul3A_22, %dma_wait3A] : memref<2x10112x64xf32, #tpu.memory_space<hbm>> -> memref<1x632x64xf32, #tpu.memory_space<hbm>>
      %dma_wait3A_45 = tpu.memref_squeeze %dma_wait3A_44 : memref<1x632x64xf32, #tpu.memory_space<hbm>> -> memref<632x64xf32, #tpu.memory_space<hbm>>
      %dma_wait3A_46 = arith.constant 0 : i32
      %dma_wait3A_47 = tpu.memref_slice %arg12[%mul3A_20, %dma_wait3A_46] : memref<10112x64xf32, #tpu.memory_space<vmem_shared>> -> memref<632x64xf32, #tpu.memory_space<vmem_shared>>
      tpu.wait_dma2 semaphore(%run_scoped3A : memref<!tpu.dma_semaphore, #tpu.memory_space<semaphore_mem>>) src(%dma_wait3A_47 : memref<632x64xf32, #tpu.memory_space<vmem_shared>>) dst(%dma_wait3A_45 : memref<632x64xf32, #tpu.memory_space<hbm>>)
      tpu.yield
    }) : () -> ()
    %barrier3A_23 = arith.constant 0 : index
    tpu.barrier barrier_id(%barrier3A_23)
    %mul3A_24 = arith.constant 632 : i32
    %mul3A_25 = arith.muli %arg1, %mul3A_24 : i32
    "tpu.region"() ({
      %run_scoped3A = tpu.sem_alloc : memref<!tpu.dma_semaphore, #tpu.memory_space<semaphore_mem>>
      %dma_start3A = arith.constant 0 : i32
      %dma_start3A_40 = tpu.memref_slice %arg12[%mul3A_25, %dma_start3A] : memref<10112x64xf32, #tpu.memory_space<vmem_shared>> -> memref<632x64xf32, #tpu.memory_space<vmem_shared>>
      %dma_start3A_41 = arith.constant 0 : i32
      %dma_start3A_42 = tpu.memref_slice %arg12[%mul3A_25, %dma_start3A_41] : memref<10112x64xf32, #tpu.memory_space<vmem_shared>> -> memref<632x64xf32, #tpu.memory_space<vmem_shared>>
      tpu.enqueue_dma source(%arg11 : memref<632x64xf32, #tpu.memory_space<vmem>>) target(%dma_start3A_42 : memref<632x64xf32, #tpu.memory_space<vmem_shared>>) target_semaphore(%run_scoped3A : memref<!tpu.dma_semaphore, #tpu.memory_space<semaphore_mem>>)
      %dma_wait3A = arith.constant 0 : i32
      %dma_wait3A_43 = tpu.memref_slice %arg12[%mul3A_25, %dma_wait3A] : memref<10112x64xf32, #tpu.memory_space<vmem_shared>> -> memref<632x64xf32, #tpu.memory_space<vmem_shared>>
      %dma_wait3A_44 = arith.constant 0 : i32
      %dma_wait3A_45 = tpu.memref_slice %arg12[%mul3A_25, %dma_wait3A_44] : memref<10112x64xf32, #tpu.memory_space<vmem_shared>> -> memref<632x64xf32, #tpu.memory_space<vmem_shared>>
      tpu.wait_dma2 semaphore(%run_scoped3A : memref<!tpu.dma_semaphore, #tpu.memory_space<semaphore_mem>>) src(%arg11 : memref<632x64xf32, #tpu.memory_space<vmem>>) dst(%dma_wait3A_45 : memref<632x64xf32, #tpu.memory_space<vmem_shared>>)
      tpu.yield
    }) : () -> ()
    %barrier3A_26 = arith.constant 0 : index
    tpu.barrier barrier_id(%barrier3A_26)
    %scan3A_27 = arith.constant 0 : i32
    %scan3A_28 = arith.constant 0 : i32
    %scan3A_29 = arith.constant 125 : i32
    %scan3A_30 = arith.addi %scan3A_28, %scan3A_29 : i32
    %scan3A_31 = arith.constant 1 : i32
    %scan3A_32 = scf.for %scan3A_40 = %scan3A_28 to %scan3A_30 step %scan3A_31 iter_args(%scan3A_41 = %scan3A_27) -> (i32)  : i32 {
      %mul3A_42 = arith.constant 80 : i32
      %mul3A_43 = arith.muli %scan3A_40, %mul3A_42 : i32
      %add3A_44 = arith.addi %add3A, %mul3A_43 : i32
      "tpu.region"() ({
        %run_scoped3A = tpu.sem_alloc : memref<!tpu.dma_semaphore, #tpu.memory_space<semaphore_mem>>
        %dma_start3A_50 = tpu.memref_slice %arg4[%add3A_44] : memref<320000xi32, #tpu.memory_space<hbm>> -> memref<80xi32, #tpu.memory_space<hbm>>
        %dma_start3A_51 = tpu.memref_slice %arg4[%add3A_44] : memref<320000xi32, #tpu.memory_space<hbm>> -> memref<80xi32, #tpu.memory_space<hbm>>
        tpu.enqueue_dma source(%dma_start3A_51 : memref<80xi32, #tpu.memory_space<hbm>>) target(%arg8 : memref<80xi32, #tpu.memory_space<vmem>>) target_semaphore(%run_scoped3A : memref<!tpu.dma_semaphore, #tpu.memory_space<semaphore_mem>>)
        %dma_wait3A_52 = tpu.memref_slice %arg4[%add3A_44] : memref<320000xi32, #tpu.memory_space<hbm>> -> memref<80xi32, #tpu.memory_space<hbm>>
        %dma_wait3A_53 = tpu.memref_slice %arg4[%add3A_44] : memref<320000xi32, #tpu.memory_space<hbm>> -> memref<80xi32, #tpu.memory_space<hbm>>
        tpu.wait_dma2 semaphore(%run_scoped3A : memref<!tpu.dma_semaphore, #tpu.memory_space<semaphore_mem>>) src(%dma_wait3A_53 : memref<80xi32, #tpu.memory_space<hbm>>) dst(%arg8 : memref<80xi32, #tpu.memory_space<vmem>>)
        tpu.yield
      }) : () -> ()
      "tpu.region"() ({
        %run_scoped3A = tpu.sem_alloc : memref<!tpu.dma_semaphore, #tpu.memory_space<semaphore_mem>>
        %dma_start3A_50 = tpu.memref_slice %arg5[%add3A_44] : memref<320000xi32, #tpu.memory_space<hbm>> -> memref<80xi32, #tpu.memory_space<hbm>>
        %dma_start3A_51 = tpu.memref_slice %arg5[%add3A_44] : memref<320000xi32, #tpu.memory_space<hbm>> -> memref<80xi32, #tpu.memory_space<hbm>>
        tpu.enqueue_dma source(%dma_start3A_51 : memref<80xi32, #tpu.memory_space<hbm>>) target(%arg9 : memref<80xi32, #tpu.memory_space<vmem>>) target_semaphore(%run_scoped3A : memref<!tpu.dma_semaphore, #tpu.memory_space<semaphore_mem>>)
        %dma_wait3A_52 = tpu.memref_slice %arg5[%add3A_44] : memref<320000xi32, #tpu.memory_space<hbm>> -> memref<80xi32, #tpu.memory_space<hbm>>
        %dma_wait3A_53 = tpu.memref_slice %arg5[%add3A_44] : memref<320000xi32, #tpu.memory_space<hbm>> -> memref<80xi32, #tpu.memory_space<hbm>>
        tpu.wait_dma2 semaphore(%run_scoped3A : memref<!tpu.dma_semaphore, #tpu.memory_space<semaphore_mem>>) src(%dma_wait3A_53 : memref<80xi32, #tpu.memory_space<hbm>>) dst(%arg9 : memref<80xi32, #tpu.memory_space<vmem>>)
        tpu.yield
      }) : () -> ()
      %dma_start3A = arith.constant 0 : i32
      %dma_start3A_45 = arith.constant 0 : i32
      %dma_start3A_46 = tpu.memref_slice %arg3[%dma_start3A, %dma_start3A_45] : memref<10000x64xf32, #tpu.memory_space<hbm>> -> memref<10000x64xf32, #tpu.memory_space<hbm>>
      tpu.enqueue_indirect_dma source(%dma_start3A_46 : memref<10000x64xf32, #tpu.memory_space<hbm>>) target(%arg10 : memref<80x64xf32, #tpu.memory_space<vmem>>) offsets(%arg8 : memref<80xi32, #tpu.memory_space<vmem>>) semaphore(%arg13 : memref<!tpu.dma_semaphore, #tpu.memory_space<semaphore_mem>>)
      %dma_wait3A = arith.constant 0 : i32
      %dma_wait3A_47 = arith.constant 0 : i32
      %dma_wait3A_48 = tpu.memref_slice %arg3[%dma_wait3A, %dma_wait3A_47] : memref<10000x64xf32, #tpu.memory_space<hbm>> -> memref<10000x64xf32, #tpu.memory_space<hbm>>
      tpu.wait_indirect_dma semaphore(%arg13 : memref<!tpu.dma_semaphore, #tpu.memory_space<semaphore_mem>>) src(%dma_wait3A_48 : memref<10000x64xf32, #tpu.memory_space<hbm>>) dst(%arg10 : memref<80x64xf32, #tpu.memory_space<vmem>>)
      "tpu.region"() ({
        %run_scoped3A = tpu.sem_alloc : memref<!tpu.dma_semaphore, #tpu.memory_space<semaphore_mem>>
        %dma_start3A_50 = arith.constant 0 : i32
        %dma_start3A_51 = arith.constant 0 : i32
        %dma_start3A_52 = tpu.memref_slice %arg12[%dma_start3A_50, %dma_start3A_51] : memref<10112x64xf32, #tpu.memory_space<vmem_shared>> -> memref<10112x64xf32, #tpu.memory_space<vmem_shared>>
        tpu.enqueue_indirect_dma source(%arg10 : memref<80x64xf32, #tpu.memory_space<vmem>>) target(%dma_start3A_52 : memref<10112x64xf32, #tpu.memory_space<vmem_shared>>) offsets(%arg9 : memref<80xi32, #tpu.memory_space<vmem>>) semaphore(%run_scoped3A : memref<!tpu.dma_semaphore, #tpu.memory_space<semaphore_mem>>) {add = true}
        %dma_wait3A_53 = arith.constant 0 : i32
        %dma_wait3A_54 = arith.constant 0 : i32
        %dma_wait3A_55 = tpu.memref_slice %arg12[%dma_wait3A_53, %dma_wait3A_54] : memref<10112x64xf32, #tpu.memory_space<vmem_shared>> -> memref<10112x64xf32, #tpu.memory_space<vmem_shared>>
        tpu.wait_indirect_dma semaphore(%run_scoped3A : memref<!tpu.dma_semaphore, #tpu.memory_space<semaphore_mem>>) src(%arg10 : memref<80x64xf32, #tpu.memory_space<vmem>>) dst(%dma_wait3A_55 : memref<10112x64xf32, #tpu.memory_space<vmem_shared>>)
        tpu.yield
      }) : () -> ()
      %scan3A_49 = arith.constant 0 : i32
      scf.yield %scan3A_49 : i32
    }
    %scan3A_33 = arith.constant 125 : i32
    %barrier3A_34 = arith.constant 0 : index
    tpu.barrier barrier_id(%barrier3A_34)
    %mul3A_35 = arith.constant 632 : i32
    %mul3A_36 = arith.muli %arg1, %mul3A_35 : i32
    %mul3A_37 = arith.constant 632 : i32
    %mul3A_38 = arith.muli %arg1, %mul3A_37 : i32
    "tpu.region"() ({
      %run_scoped3A = tpu.sem_alloc : memref<!tpu.dma_semaphore, #tpu.memory_space<semaphore_mem>>
      %dma_start3A = arith.constant 0 : i32
      %dma_start3A_40 = tpu.memref_slice %arg7[%arg0, %mul3A_38, %dma_start3A] : memref<2x10112x64xf32, #tpu.memory_space<hbm>> -> memref<1x632x64xf32, #tpu.memory_space<hbm>>
      %dma_start3A_41 = tpu.memref_squeeze %dma_start3A_40 : memref<1x632x64xf32, #tpu.memory_space<hbm>> -> memref<632x64xf32, #tpu.memory_space<hbm>>
      %dma_start3A_42 = arith.constant 0 : i32
      %dma_start3A_43 = tpu.memref_slice %arg12[%mul3A_36, %dma_start3A_42] : memref<10112x64xf32, #tpu.memory_space<vmem_shared>> -> memref<632x64xf32, #tpu.memory_space<vmem_shared>>
      tpu.enqueue_dma source(%dma_start3A_43 : memref<632x64xf32, #tpu.memory_space<vmem_shared>>) target(%dma_start3A_41 : memref<632x64xf32, #tpu.memory_space<hbm>>) target_semaphore(%run_scoped3A : memref<!tpu.dma_semaphore, #tpu.memory_space<semaphore_mem>>)
      %dma_wait3A = arith.constant 0 : i32
      %dma_wait3A_44 = tpu.memref_slice %arg7[%arg0, %mul3A_38, %dma_wait3A] : memref<2x10112x64xf32, #tpu.memory_space<hbm>> -> memref<1x632x64xf32, #tpu.memory_space<hbm>>
      %dma_wait3A_45 = tpu.memref_squeeze %dma_wait3A_44 : memref<1x632x64xf32, #tpu.memory_space<hbm>> -> memref<632x64xf32, #tpu.memory_space<hbm>>
      %dma_wait3A_46 = arith.constant 0 : i32
      %dma_wait3A_47 = tpu.memref_slice %arg12[%mul3A_36, %dma_wait3A_46] : memref<10112x64xf32, #tpu.memory_space<vmem_shared>> -> memref<632x64xf32, #tpu.memory_space<vmem_shared>>
      tpu.wait_dma2 semaphore(%run_scoped3A : memref<!tpu.dma_semaphore, #tpu.memory_space<semaphore_mem>>) src(%dma_wait3A_47 : memref<632x64xf32, #tpu.memory_space<vmem_shared>>) dst(%dma_wait3A_45 : memref<632x64xf32, #tpu.memory_space<hbm>>)
      tpu.yield
    }) : () -> ()
    %barrier3A_39 = arith.constant 0 : index
    tpu.barrier barrier_id(%barrier3A_39)
    return
  }
}

module attributes {stable_mosaic.version = 14 : i64} {
  func.func @_k1_body(%arg0: i32, %arg1: memref<1000x128xf32, #tpu.memory_space<vmem>>, %arg2: memref<128x128xf32, #tpu.memory_space<vmem>>, %arg3: memref<2x1000x16xf32, #tpu.memory_space<vmem>>, %arg4: memref<1000x64xf32, #tpu.memory_space<vmem>>, %arg5: memref<1000x64xf32, #tpu.memory_space<vmem>>) attributes {dimension_semantics = [#tpu.dimension_semantics<arbitrary>], iteration_bounds = array<i64: 10>, scalar_prefetch = 0 : i64, scratch_operands = 0 : i64, tpu.core_type = #tpu.core_type<tc>, window_params = [{transform_indices = @transform_0, window_bounds = array<i64: 1000, 128>}, {pipeline_mode = #tpu.pipeline_mode<synchronous>, transform_indices = @transform_1, window_bounds = array<i64: 128, 128>}, {transform_indices = @transform_2, window_bounds = array<i64: 2, 1000, 16>}, {transform_indices = @transform_3, window_bounds = array<i64: 1000, 64>}, {transform_indices = @transform_4, window_bounds = array<i64: 1000, 64>}]} {
    %get3A = arith.constant 0 : index
    %get3A_0 = arith.constant 0 : index
    %get3A_1 = arith.constant 0 : index
    %get3A_2 = vector.load %arg3[%get3A, %get3A_0, %get3A_1] : memref<2x1000x16xf32, #tpu.memory_space<vmem>>, vector<2x1000x16xf32>
    %slice3A = vector.extract_strided_slice %get3A_2 {offsets = [0, 0, 0], sizes = [1, 1000, 1], strides = [1, 1, 1]} : vector<2x1000x16xf32> to vector<1x1000x1xf32>
    %squeeze3A = vector.shape_cast %slice3A : vector<1x1000x1xf32> to vector<1000x1xf32>
    %add3A = arith.constant 1.000000e+00 : f32
    %add3A_3 = vector.broadcast %add3A : f32 to vector<1000x1xf32>
    %add3A_4 = arith.addf %add3A_3, %squeeze3A : vector<1000x1xf32>
    %slice3A_5 = vector.extract_strided_slice %get3A_2 {offsets = [1, 0, 0], sizes = [1, 1000, 1], strides = [1, 1, 1]} : vector<2x1000x16xf32> to vector<1x1000x1xf32>
    %squeeze3A_6 = vector.shape_cast %slice3A_5 : vector<1x1000x1xf32> to vector<1000x1xf32>
    %add3A_7 = arith.addf %add3A_4, %squeeze3A_6 : vector<1000x1xf32>
    %rsqrt3A = math.rsqrt %add3A_7 : vector<1000x1xf32>
    %get3A_8 = arith.constant 0 : index
    %get3A_9 = arith.constant 0 : index
    %get3A_10 = vector.load %arg1[%get3A_8, %get3A_9] : memref<1000x128xf32, #tpu.memory_space<vmem>>, vector<1000x128xf32>
    %get3A_11 = arith.constant 0 : index
    %get3A_12 = arith.constant 0 : index
    %get3A_13 = vector.load %arg2[%get3A_11, %get3A_12] : memref<128x128xf32, #tpu.memory_space<vmem>>, vector<128x128xf32>
    %dot_general3A = arith.constant dense<0.000000e+00> : vector<1000x128xf32>
    %dot_general3A_14 = tpu.matmul %get3A_10, %get3A_13, %dot_general3A {dimension_numbers = #tpu.dot_dimension_numbers<[1], [0], [0], [1], [0, 0, 1, 1], [], []>, transpose_lhs_hint = false} : vector<1000x128xf32>, vector<128x128xf32>, vector<1000x128xf32> -> vector<1000x128xf32>
    %mul3A = vector.broadcast %rsqrt3A : vector<1000x1xf32> to vector<1000x128xf32>
    %mul3A_15 = arith.mulf %dot_general3A_14, %mul3A : vector<1000x128xf32>
    %slice3A_16 = vector.extract_strided_slice %mul3A_15 {offsets = [0, 0], sizes = [1000, 64], strides = [1, 1]} : vector<1000x128xf32> to vector<1000x64xf32>
    %swap3A = arith.constant 0 : index
    %swap3A_17 = arith.constant 0 : index
    %swap3A_18 = vector.load %arg4[%swap3A, %swap3A_17] : memref<1000x64xf32, #tpu.memory_space<vmem>>, vector<1000x64xf32>
    tpu.vector_store %arg4[%swap3A, %swap3A_17], %slice3A_16 {strides = array<i32>} : memref<1000x64xf32, #tpu.memory_space<vmem>>, vector<1000x64xf32>,
    %slice3A_19 = vector.extract_strided_slice %mul3A_15 {offsets = [0, 64], sizes = [1000, 64], strides = [1, 1]} : vector<1000x128xf32> to vector<1000x64xf32>
    %swap3A_20 = arith.constant 0 : index
    %swap3A_21 = arith.constant 0 : index
    %swap3A_22 = vector.load %arg5[%swap3A_20, %swap3A_21] : memref<1000x64xf32, #tpu.memory_space<vmem>>, vector<1000x64xf32>
    tpu.vector_store %arg5[%swap3A_20, %swap3A_21], %slice3A_19 {strides = array<i32>} : memref<1000x64xf32, #tpu.memory_space<vmem>>, vector<1000x64xf32>,
    return
  }
  func.func @transform_0(%arg0: i32) -> (i32, i32) {
    %c0_i32 = arith.constant 0 : i32
    %c0_i32_0 = arith.constant 0 : i32
    return %arg0, %c0_i32 : i32, i32
  }
  func.func @transform_1(%arg0: i32) -> (i32, i32) {
    %c0_i32 = arith.constant 0 : i32
    %c0_i32_0 = arith.constant 0 : i32
    %c0_i32_1 = arith.constant 0 : i32
    return %c0_i32, %c0_i32_0 : i32, i32
  }
  func.func @transform_2(%arg0: i32) -> (i32, i32, i32) {
    %c0_i32 = arith.constant 0 : i32
    %c0_i32_0 = arith.constant 0 : i32
    %c0_i32_1 = arith.constant 0 : i32
    return %c0_i32, %arg0, %c0_i32_0 : i32, i32, i32
  }
  func.func @transform_3(%arg0: i32) -> (i32, i32) {
    %c0_i32 = arith.constant 0 : i32
    %c0_i32_0 = arith.constant 0 : i32
    return %arg0, %c0_i32 : i32, i32
  }
  func.func @transform_4(%arg0: i32) -> (i32, i32) {
    %c0_i32 = arith.constant 0 : i32
    %c0_i32_0 = arith.constant 0 : i32
    return %arg0, %c0_i32 : i32, i32
  }
}

module attributes {stable_mosaic.version = 14 : i64} {
  func.func @_k2_body(%arg0: i32, %arg1: memref<2x1000x64xf32, #tpu.memory_space<vmem>>, %arg2: memref<2x1000x64xf32, #tpu.memory_space<vmem>>, %arg3: memref<1000x64xf32, #tpu.memory_space<vmem>>, %arg4: memref<1000x64xf32, #tpu.memory_space<vmem>>, %arg5: memref<2x1000x16xf32, #tpu.memory_space<vmem>>, %arg6: memref<1x128xf32, #tpu.memory_space<vmem>>, %arg7: memref<128x128xf32, #tpu.memory_space<vmem>>, %arg8: memref<1000x64xf32, #tpu.memory_space<vmem>>, %arg9: memref<1000x64xf32, #tpu.memory_space<vmem>>) attributes {dimension_semantics = [#tpu.dimension_semantics<arbitrary>], iteration_bounds = array<i64: 10>, scalar_prefetch = 0 : i64, scratch_operands = 0 : i64, tpu.core_type = #tpu.core_type<tc>, window_params = [{transform_indices = @transform_0, window_bounds = array<i64: 2, 1000, 64>}, {transform_indices = @transform_1, window_bounds = array<i64: 2, 1000, 64>}, {transform_indices = @transform_2, window_bounds = array<i64: 1000, 64>}, {transform_indices = @transform_3, window_bounds = array<i64: 1000, 64>}, {transform_indices = @transform_4, window_bounds = array<i64: 2, 1000, 16>}, {pipeline_mode = #tpu.pipeline_mode<synchronous>, transform_indices = @transform_5, window_bounds = array<i64: 1, 128>}, {pipeline_mode = #tpu.pipeline_mode<synchronous>, transform_indices = @transform_6, window_bounds = array<i64: 128, 128>}, {transform_indices = @transform_7, window_bounds = array<i64: 1000, 64>}, {transform_indices = @transform_8, window_bounds = array<i64: 1000, 64>}]} {
    %get3A = arith.constant 0 : index
    %get3A_0 = arith.constant 0 : index
    %get3A_1 = arith.constant 0 : index
    %get3A_2 = vector.load %arg5[%get3A, %get3A_0, %get3A_1] : memref<2x1000x16xf32, #tpu.memory_space<vmem>>, vector<2x1000x16xf32>
    %slice3A = vector.extract_strided_slice %get3A_2 {offsets = [0, 0, 0], sizes = [1, 1000, 1], strides = [1, 1, 1]} : vector<2x1000x16xf32> to vector<1x1000x1xf32>
    %squeeze3A = vector.shape_cast %slice3A : vector<1x1000x1xf32> to vector<1000x1xf32>
    %add3A = arith.constant 1.000000e+00 : f32
    %add3A_3 = vector.broadcast %add3A : f32 to vector<1000x1xf32>
    %add3A_4 = arith.addf %add3A_3, %squeeze3A : vector<1000x1xf32>
    %slice3A_5 = vector.extract_strided_slice %get3A_2 {offsets = [1, 0, 0], sizes = [1, 1000, 1], strides = [1, 1, 1]} : vector<2x1000x16xf32> to vector<1x1000x1xf32>
    %squeeze3A_6 = vector.shape_cast %slice3A_5 : vector<1x1000x1xf32> to vector<1000x1xf32>
    %add3A_7 = arith.addf %add3A_4, %squeeze3A_6 : vector<1000x1xf32>
    %rsqrt3A = math.rsqrt %add3A_7 : vector<1000x1xf32>
    %get3A_8 = arith.constant 0 : index
    %get3A_9 = arith.constant 0 : index
    %get3A_10 = arith.constant 0 : index
    %get3A_11 = vector.load %arg1[%get3A_8, %get3A_9, %get3A_10] : memref<2x1000x64xf32, #tpu.memory_space<vmem>>, vector<2x1000x64xf32>
    %get3A_12 = arith.constant 0 : index
    %get3A_13 = arith.constant 0 : index
    %get3A_14 = arith.constant 0 : index
    %get3A_15 = vector.load %arg2[%get3A_12, %get3A_13, %get3A_14] : memref<2x1000x64xf32, #tpu.memory_space<vmem>>, vector<2x1000x64xf32>
    %get3A_16 = arith.constant 0 : index
    %get3A_17 = arith.constant 0 : index
    %get3A_18 = vector.load %arg6[%get3A_16, %get3A_17] : memref<1x128xf32, #tpu.memory_space<vmem>>, vector<1x128xf32>
    %slice3A_19 = vector.extract_strided_slice %get3A_11 {offsets = [0, 0, 0], sizes = [1, 1000, 64], strides = [1, 1, 1]} : vector<2x1000x64xf32> to vector<1x1000x64xf32>
    %squeeze3A_20 = vector.shape_cast %slice3A_19 : vector<1x1000x64xf32> to vector<1000x64xf32>
    %slice3A_21 = vector.extract_strided_slice %get3A_11 {offsets = [1, 0, 0], sizes = [1, 1000, 64], strides = [1, 1, 1]} : vector<2x1000x64xf32> to vector<1x1000x64xf32>
    %squeeze3A_22 = vector.shape_cast %slice3A_21 : vector<1x1000x64xf32> to vector<1000x64xf32>
    %add3A_23 = arith.addf %squeeze3A_20, %squeeze3A_22 : vector<1000x64xf32>
    %get3A_24 = arith.constant 0 : index
    %get3A_25 = arith.constant 0 : index
    %get3A_26 = vector.load %arg3[%get3A_24, %get3A_25] : memref<1000x64xf32, #tpu.memory_space<vmem>>, vector<1000x64xf32>
    %add3A_27 = arith.addf %add3A_23, %get3A_26 : vector<1000x64xf32>
    %mul3A = vector.broadcast %rsqrt3A : vector<1000x1xf32> to vector<1000x64xf32>
    %mul3A_28 = arith.mulf %mul3A, %add3A_27 : vector<1000x64xf32>
    %slice3A_29 = vector.extract_strided_slice %get3A_18 {offsets = [0, 0], sizes = [1, 64], strides = [1, 1]} : vector<1x128xf32> to vector<1x64xf32>
    %add3A_30 = vector.broadcast %slice3A_29 : vector<1x64xf32> to vector<1000x64xf32>
    %add3A_31 = arith.addf %mul3A_28, %add3A_30 : vector<1000x64xf32>
    %max3A = arith.constant 0.000000e+00 : f32
    %max3A_32 = vector.broadcast %max3A : f32 to vector<1000x64xf32>
    %max3A_33 = arith.maximumf %add3A_31, %max3A_32 : vector<1000x64xf32>
    %slice3A_34 = vector.extract_strided_slice %get3A_15 {offsets = [0, 0, 0], sizes = [1, 1000, 64], strides = [1, 1, 1]} : vector<2x1000x64xf32> to vector<1x1000x64xf32>
    %squeeze3A_35 = vector.shape_cast %slice3A_34 : vector<1x1000x64xf32> to vector<1000x64xf32>
    %slice3A_36 = vector.extract_strided_slice %get3A_15 {offsets = [1, 0, 0], sizes = [1, 1000, 64], strides = [1, 1, 1]} : vector<2x1000x64xf32> to vector<1x1000x64xf32>
    %squeeze3A_37 = vector.shape_cast %slice3A_36 : vector<1x1000x64xf32> to vector<1000x64xf32>
    %add3A_38 = arith.addf %squeeze3A_35, %squeeze3A_37 : vector<1000x64xf32>
    %get3A_39 = arith.constant 0 : index
    %get3A_40 = arith.constant 0 : index
    %get3A_41 = vector.load %arg4[%get3A_39, %get3A_40] : memref<1000x64xf32, #tpu.memory_space<vmem>>, vector<1000x64xf32>
    %add3A_42 = arith.addf %add3A_38, %get3A_41 : vector<1000x64xf32>
    %mul3A_43 = vector.broadcast %rsqrt3A : vector<1000x1xf32> to vector<1000x64xf32>
    %mul3A_44 = arith.mulf %mul3A_43, %add3A_42 : vector<1000x64xf32>
    %slice3A_45 = vector.extract_strided_slice %get3A_18 {offsets = [0, 64], sizes = [1, 64], strides = [1, 1]} : vector<1x128xf32> to vector<1x64xf32>
    %add3A_46 = vector.broadcast %slice3A_45 : vector<1x64xf32> to vector<1000x64xf32>
    %add3A_47 = arith.addf %mul3A_44, %add3A_46 : vector<1000x64xf32>
    %max3A_48 = arith.constant 0.000000e+00 : f32
    %max3A_49 = vector.broadcast %max3A_48 : f32 to vector<1000x64xf32>
    %max3A_50 = arith.maximumf %add3A_47, %max3A_49 : vector<1000x64xf32>
    %get3A_51 = arith.constant 0 : index
    %get3A_52 = arith.constant 0 : index
    %get3A_53 = vector.load %arg7[%get3A_51, %get3A_52] : memref<128x128xf32, #tpu.memory_space<vmem>>, vector<128x128xf32>
    %slice3A_54 = vector.extract_strided_slice %get3A_53 {offsets = [0, 0], sizes = [64, 128], strides = [1, 1]} : vector<128x128xf32> to vector<64x128xf32>
    %dot_general3A = arith.constant dense<0.000000e+00> : vector<1000x128xf32>
    %dot_general3A_55 = tpu.matmul %max3A_33, %slice3A_54, %dot_general3A {dimension_numbers = #tpu.dot_dimension_numbers<[1], [0], [0], [1], [0, 0, 1, 1], [], []>, transpose_lhs_hint = false} : vector<1000x64xf32>, vector<64x128xf32>, vector<1000x128xf32> -> vector<1000x128xf32>
    %slice3A_56 = vector.extract_strided_slice %get3A_53 {offsets = [64, 0], sizes = [64, 128], strides = [1, 1]} : vector<128x128xf32> to vector<64x128xf32>
    %dot_general3A_57 = arith.constant dense<0.000000e+00> : vector<1000x128xf32>
    %dot_general3A_58 = tpu.matmul %max3A_50, %slice3A_56, %dot_general3A_57 {dimension_numbers = #tpu.dot_dimension_numbers<[1], [0], [0], [1], [0, 0, 1, 1], [], []>, transpose_lhs_hint = false} : vector<1000x64xf32>, vector<64x128xf32>, vector<1000x128xf32> -> vector<1000x128xf32>
    %add3A_59 = arith.addf %dot_general3A_55, %dot_general3A_58 : vector<1000x128xf32>
    %mul3A_60 = vector.broadcast %rsqrt3A : vector<1000x1xf32> to vector<1000x128xf32>
    %mul3A_61 = arith.mulf %add3A_59, %mul3A_60 : vector<1000x128xf32>
    %slice3A_62 = vector.extract_strided_slice %mul3A_61 {offsets = [0, 0], sizes = [1000, 64], strides = [1, 1]} : vector<1000x128xf32> to vector<1000x64xf32>
    %swap3A = arith.constant 0 : index
    %swap3A_63 = arith.constant 0 : index
    %swap3A_64 = vector.load %arg8[%swap3A, %swap3A_63] : memref<1000x64xf32, #tpu.memory_space<vmem>>, vector<1000x64xf32>
    tpu.vector_store %arg8[%swap3A, %swap3A_63], %slice3A_62 {strides = array<i32>} : memref<1000x64xf32, #tpu.memory_space<vmem>>, vector<1000x64xf32>,
    %slice3A_65 = vector.extract_strided_slice %mul3A_61 {offsets = [0, 64], sizes = [1000, 64], strides = [1, 1]} : vector<1000x128xf32> to vector<1000x64xf32>
    %swap3A_66 = arith.constant 0 : index
    %swap3A_67 = arith.constant 0 : index
    %swap3A_68 = vector.load %arg9[%swap3A_66, %swap3A_67] : memref<1000x64xf32, #tpu.memory_space<vmem>>, vector<1000x64xf32>
    tpu.vector_store %arg9[%swap3A_66, %swap3A_67], %slice3A_65 {strides = array<i32>} : memref<1000x64xf32, #tpu.memory_space<vmem>>, vector<1000x64xf32>,
    return
  }
  func.func @transform_0(%arg0: i32) -> (i32, i32, i32) {
    %c0_i32 = arith.constant 0 : i32
    %c0_i32_0 = arith.constant 0 : i32
    %c0_i32_1 = arith.constant 0 : i32
    return %c0_i32, %arg0, %c0_i32_0 : i32, i32, i32
  }
  func.func @transform_1(%arg0: i32) -> (i32, i32, i32) {
    %c0_i32 = arith.constant 0 : i32
    %c0_i32_0 = arith.constant 0 : i32
    %c0_i32_1 = arith.constant 0 : i32
    return %c0_i32, %arg0, %c0_i32_0 : i32, i32, i32
  }
  func.func @transform_2(%arg0: i32) -> (i32, i32) {
    %c0_i32 = arith.constant 0 : i32
    %c0_i32_0 = arith.constant 0 : i32
    return %arg0, %c0_i32 : i32, i32
  }
  func.func @transform_3(%arg0: i32) -> (i32, i32) {
    %c0_i32 = arith.constant 0 : i32
    %c0_i32_0 = arith.constant 0 : i32
    return %arg0, %c0_i32 : i32, i32
  }
  func.func @transform_4(%arg0: i32) -> (i32, i32, i32) {
    %c0_i32 = arith.constant 0 : i32
    %c0_i32_0 = arith.constant 0 : i32
    %c0_i32_1 = arith.constant 0 : i32
    return %c0_i32, %arg0, %c0_i32_0 : i32, i32, i32
  }
  func.func @transform_5(%arg0: i32) -> (i32, i32) {
    %c0_i32 = arith.constant 0 : i32
    %c0_i32_0 = arith.constant 0 : i32
    %c0_i32_1 = arith.constant 0 : i32
    return %c0_i32, %c0_i32_0 : i32, i32
  }
  func.func @transform_6(%arg0: i32) -> (i32, i32) {
    %c0_i32 = arith.constant 0 : i32
    %c0_i32_0 = arith.constant 0 : i32
    %c0_i32_1 = arith.constant 0 : i32
    return %c0_i32, %c0_i32_0 : i32, i32
  }
  func.func @transform_7(%arg0: i32) -> (i32, i32) {
    %c0_i32 = arith.constant 0 : i32
    %c0_i32_0 = arith.constant 0 : i32
    return %arg0, %c0_i32 : i32, i32
  }
  func.func @transform_8(%arg0: i32) -> (i32, i32) {
    %c0_i32 = arith.constant 0 : i32
    %c0_i32_0 = arith.constant 0 : i32
    return %arg0, %c0_i32 : i32, i32
  }
}

module attributes {stable_mosaic.version = 14 : i64} {
  func.func @_k3_body(%arg0: i32, %arg1: memref<2x1000x64xf32, #tpu.memory_space<vmem>>, %arg2: memref<2x1000x64xf32, #tpu.memory_space<vmem>>, %arg3: memref<1000x64xf32, #tpu.memory_space<vmem>>, %arg4: memref<1000x64xf32, #tpu.memory_space<vmem>>, %arg5: memref<2x1000x16xf32, #tpu.memory_space<vmem>>, %arg6: memref<1x128xf32, #tpu.memory_space<vmem>>, %arg7: memref<256x128xf32, #tpu.memory_space<vmem>>, %arg8: memref<1x128xf32, #tpu.memory_space<vmem>>, %arg9: memref<1000x128xf32, #tpu.memory_space<vmem>>, %arg10: memref<1000x128xf32, #tpu.memory_space<vmem>>) attributes {dimension_semantics = [#tpu.dimension_semantics<arbitrary>], iteration_bounds = array<i64: 10>, scalar_prefetch = 0 : i64, scratch_operands = 0 : i64, tpu.core_type = #tpu.core_type<tc>, window_params = [{transform_indices = @transform_0, window_bounds = array<i64: 2, 1000, 64>}, {transform_indices = @transform_1, window_bounds = array<i64: 2, 1000, 64>}, {transform_indices = @transform_2, window_bounds = array<i64: 1000, 64>}, {transform_indices = @transform_3, window_bounds = array<i64: 1000, 64>}, {transform_indices = @transform_4, window_bounds = array<i64: 2, 1000, 16>}, {pipeline_mode = #tpu.pipeline_mode<synchronous>, transform_indices = @transform_5, window_bounds = array<i64: 1, 128>}, {pipeline_mode = #tpu.pipeline_mode<synchronous>, transform_indices = @transform_6, window_bounds = array<i64: 256, 128>}, {pipeline_mode = #tpu.pipeline_mode<synchronous>, transform_indices = @transform_7, window_bounds = array<i64: 1, 128>}, {transform_indices = @transform_8, window_bounds = array<i64: 1000, 128>}, {transform_indices = @transform_9, window_bounds = array<i64: 1000, 128>}]} {
    %get3A = arith.constant 0 : index
    %get3A_0 = arith.constant 0 : index
    %get3A_1 = arith.constant 0 : index
    %get3A_2 = vector.load %arg5[%get3A, %get3A_0, %get3A_1] : memref<2x1000x16xf32, #tpu.memory_space<vmem>>, vector<2x1000x16xf32>
    %slice3A = vector.extract_strided_slice %get3A_2 {offsets = [0, 0, 0], sizes = [1, 1000, 1], strides = [1, 1, 1]} : vector<2x1000x16xf32> to vector<1x1000x1xf32>
    %squeeze3A = vector.shape_cast %slice3A : vector<1x1000x1xf32> to vector<1000x1xf32>
    %add3A = arith.constant 1.000000e+00 : f32
    %add3A_3 = vector.broadcast %add3A : f32 to vector<1000x1xf32>
    %add3A_4 = arith.addf %add3A_3, %squeeze3A : vector<1000x1xf32>
    %slice3A_5 = vector.extract_strided_slice %get3A_2 {offsets = [1, 0, 0], sizes = [1, 1000, 1], strides = [1, 1, 1]} : vector<2x1000x16xf32> to vector<1x1000x1xf32>
    %squeeze3A_6 = vector.shape_cast %slice3A_5 : vector<1x1000x1xf32> to vector<1000x1xf32>
    %add3A_7 = arith.addf %add3A_4, %squeeze3A_6 : vector<1000x1xf32>
    %rsqrt3A = math.rsqrt %add3A_7 : vector<1000x1xf32>
    %get3A_8 = arith.constant 0 : index
    %get3A_9 = arith.constant 0 : index
    %get3A_10 = arith.constant 0 : index
    %get3A_11 = vector.load %arg1[%get3A_8, %get3A_9, %get3A_10] : memref<2x1000x64xf32, #tpu.memory_space<vmem>>, vector<2x1000x64xf32>
    %get3A_12 = arith.constant 0 : index
    %get3A_13 = arith.constant 0 : index
    %get3A_14 = arith.constant 0 : index
    %get3A_15 = vector.load %arg2[%get3A_12, %get3A_13, %get3A_14] : memref<2x1000x64xf32, #tpu.memory_space<vmem>>, vector<2x1000x64xf32>
    %get3A_16 = arith.constant 0 : index
    %get3A_17 = arith.constant 0 : index
    %get3A_18 = vector.load %arg6[%get3A_16, %get3A_17] : memref<1x128xf32, #tpu.memory_space<vmem>>, vector<1x128xf32>
    %slice3A_19 = vector.extract_strided_slice %get3A_11 {offsets = [0, 0, 0], sizes = [1, 1000, 64], strides = [1, 1, 1]} : vector<2x1000x64xf32> to vector<1x1000x64xf32>
    %squeeze3A_20 = vector.shape_cast %slice3A_19 : vector<1x1000x64xf32> to vector<1000x64xf32>
    %slice3A_21 = vector.extract_strided_slice %get3A_11 {offsets = [1, 0, 0], sizes = [1, 1000, 64], strides = [1, 1, 1]} : vector<2x1000x64xf32> to vector<1x1000x64xf32>
    %squeeze3A_22 = vector.shape_cast %slice3A_21 : vector<1x1000x64xf32> to vector<1000x64xf32>
    %add3A_23 = arith.addf %squeeze3A_20, %squeeze3A_22 : vector<1000x64xf32>
    %get3A_24 = arith.constant 0 : index
    %get3A_25 = arith.constant 0 : index
    %get3A_26 = vector.load %arg3[%get3A_24, %get3A_25] : memref<1000x64xf32, #tpu.memory_space<vmem>>, vector<1000x64xf32>
    %add3A_27 = arith.addf %add3A_23, %get3A_26 : vector<1000x64xf32>
    %mul3A = vector.broadcast %rsqrt3A : vector<1000x1xf32> to vector<1000x64xf32>
    %mul3A_28 = arith.mulf %mul3A, %add3A_27 : vector<1000x64xf32>
    %slice3A_29 = vector.extract_strided_slice %get3A_18 {offsets = [0, 0], sizes = [1, 64], strides = [1, 1]} : vector<1x128xf32> to vector<1x64xf32>
    %add3A_30 = vector.broadcast %slice3A_29 : vector<1x64xf32> to vector<1000x64xf32>
    %add3A_31 = arith.addf %mul3A_28, %add3A_30 : vector<1000x64xf32>
    %slice3A_32 = vector.extract_strided_slice %get3A_15 {offsets = [0, 0, 0], sizes = [1, 1000, 64], strides = [1, 1, 1]} : vector<2x1000x64xf32> to vector<1x1000x64xf32>
    %squeeze3A_33 = vector.shape_cast %slice3A_32 : vector<1x1000x64xf32> to vector<1000x64xf32>
    %slice3A_34 = vector.extract_strided_slice %get3A_15 {offsets = [1, 0, 0], sizes = [1, 1000, 64], strides = [1, 1, 1]} : vector<2x1000x64xf32> to vector<1x1000x64xf32>
    %squeeze3A_35 = vector.shape_cast %slice3A_34 : vector<1x1000x64xf32> to vector<1000x64xf32>
    %add3A_36 = arith.addf %squeeze3A_33, %squeeze3A_35 : vector<1000x64xf32>
    %get3A_37 = arith.constant 0 : index
    %get3A_38 = arith.constant 0 : index
    %get3A_39 = vector.load %arg4[%get3A_37, %get3A_38] : memref<1000x64xf32, #tpu.memory_space<vmem>>, vector<1000x64xf32>
    %add3A_40 = arith.addf %add3A_36, %get3A_39 : vector<1000x64xf32>
    %mul3A_41 = vector.broadcast %rsqrt3A : vector<1000x1xf32> to vector<1000x64xf32>
    %mul3A_42 = arith.mulf %mul3A_41, %add3A_40 : vector<1000x64xf32>
    %slice3A_43 = vector.extract_strided_slice %get3A_18 {offsets = [0, 64], sizes = [1, 64], strides = [1, 1]} : vector<1x128xf32> to vector<1x64xf32>
    %add3A_44 = vector.broadcast %slice3A_43 : vector<1x64xf32> to vector<1000x64xf32>
    %add3A_45 = arith.addf %mul3A_42, %add3A_44 : vector<1000x64xf32>
    %get3A_46 = arith.constant 0 : index
    %get3A_47 = arith.constant 0 : index
    %get3A_48 = vector.load %arg7[%get3A_46, %get3A_47] : memref<256x128xf32, #tpu.memory_space<vmem>>, vector<256x128xf32>
    %slice3A_49 = vector.extract_strided_slice %get3A_48 {offsets = [0, 0], sizes = [64, 128], strides = [1, 1]} : vector<256x128xf32> to vector<64x128xf32>
    %dot_general3A = arith.constant dense<0.000000e+00> : vector<1000x128xf32>
    %dot_general3A_50 = tpu.matmul %add3A_31, %slice3A_49, %dot_general3A {dimension_numbers = #tpu.dot_dimension_numbers<[1], [0], [0], [1], [0, 0, 1, 1], [], []>, transpose_lhs_hint = false} : vector<1000x64xf32>, vector<64x128xf32>, vector<1000x128xf32> -> vector<1000x128xf32>
    %slice3A_51 = vector.extract_strided_slice %get3A_48 {offsets = [64, 0], sizes = [64, 128], strides = [1, 1]} : vector<256x128xf32> to vector<64x128xf32>
    %dot_general3A_52 = arith.constant dense<0.000000e+00> : vector<1000x128xf32>
    %dot_general3A_53 = tpu.matmul %add3A_45, %slice3A_51, %dot_general3A_52 {dimension_numbers = #tpu.dot_dimension_numbers<[1], [0], [0], [1], [0, 0, 1, 1], [], []>, transpose_lhs_hint = false} : vector<1000x64xf32>, vector<64x128xf32>, vector<1000x128xf32> -> vector<1000x128xf32>
    %add3A_54 = arith.addf %dot_general3A_50, %dot_general3A_53 : vector<1000x128xf32>
    %get3A_55 = arith.constant 0 : index
    %get3A_56 = arith.constant 0 : index
    %get3A_57 = vector.load %arg8[%get3A_55, %get3A_56] : memref<1x128xf32, #tpu.memory_space<vmem>>, vector<1x128xf32>
    %add3A_58 = vector.broadcast %get3A_57 : vector<1x128xf32> to vector<1000x128xf32>
    %add3A_59 = arith.addf %add3A_54, %add3A_58 : vector<1000x128xf32>
    %swap3A = arith.constant 0 : index
    %swap3A_60 = arith.constant 0 : index
    %swap3A_61 = vector.load %arg9[%swap3A, %swap3A_60] : memref<1000x128xf32, #tpu.memory_space<vmem>>, vector<1000x128xf32>
    tpu.vector_store %arg9[%swap3A, %swap3A_60], %add3A_59 {strides = array<i32>} : memref<1000x128xf32, #tpu.memory_space<vmem>>, vector<1000x128xf32>,
    %slice3A_62 = vector.extract_strided_slice %get3A_48 {offsets = [128, 0], sizes = [64, 128], strides = [1, 1]} : vector<256x128xf32> to vector<64x128xf32>
    %dot_general3A_63 = arith.constant dense<0.000000e+00> : vector<1000x128xf32>
    %dot_general3A_64 = tpu.matmul %add3A_31, %slice3A_62, %dot_general3A_63 {dimension_numbers = #tpu.dot_dimension_numbers<[1], [0], [0], [1], [0, 0, 1, 1], [], []>, transpose_lhs_hint = false} : vector<1000x64xf32>, vector<64x128xf32>, vector<1000x128xf32> -> vector<1000x128xf32>
    %slice3A_65 = vector.extract_strided_slice %get3A_48 {offsets = [192, 0], sizes = [64, 128], strides = [1, 1]} : vector<256x128xf32> to vector<64x128xf32>
    %dot_general3A_66 = arith.constant dense<0.000000e+00> : vector<1000x128xf32>
    %dot_general3A_67 = tpu.matmul %add3A_45, %slice3A_65, %dot_general3A_66 {dimension_numbers = #tpu.dot_dimension_numbers<[1], [0], [0], [1], [0, 0, 1, 1], [], []>, transpose_lhs_hint = false} : vector<1000x64xf32>, vector<64x128xf32>, vector<1000x128xf32> -> vector<1000x128xf32>
    %add3A_68 = arith.addf %dot_general3A_64, %dot_general3A_67 : vector<1000x128xf32>
    %swap3A_69 = arith.constant 0 : index
    %swap3A_70 = arith.constant 0 : index
    %swap3A_71 = vector.load %arg10[%swap3A_69, %swap3A_70] : memref<1000x128xf32, #tpu.memory_space<vmem>>, vector<1000x128xf32>
    tpu.vector_store %arg10[%swap3A_69, %swap3A_70], %add3A_68 {strides = array<i32>} : memref<1000x128xf32, #tpu.memory_space<vmem>>, vector<1000x128xf32>,
    return
  }
  func.func @transform_0(%arg0: i32) -> (i32, i32, i32) {
    %c0_i32 = arith.constant 0 : i32
    %c0_i32_0 = arith.constant 0 : i32
    %c0_i32_1 = arith.constant 0 : i32
    return %c0_i32, %arg0, %c0_i32_0 : i32, i32, i32
  }
  func.func @transform_1(%arg0: i32) -> (i32, i32, i32) {
    %c0_i32 = arith.constant 0 : i32
    %c0_i32_0 = arith.constant 0 : i32
    %c0_i32_1 = arith.constant 0 : i32
    return %c0_i32, %arg0, %c0_i32_0 : i32, i32, i32
  }
  func.func @transform_2(%arg0: i32) -> (i32, i32) {
    %c0_i32 = arith.constant 0 : i32
    %c0_i32_0 = arith.constant 0 : i32
    return %arg0, %c0_i32 : i32, i32
  }
  func.func @transform_3(%arg0: i32) -> (i32, i32) {
    %c0_i32 = arith.constant 0 : i32
    %c0_i32_0 = arith.constant 0 : i32
    return %arg0, %c0_i32 : i32, i32
  }
  func.func @transform_4(%arg0: i32) -> (i32, i32, i32) {
    %c0_i32 = arith.constant 0 : i32
    %c0_i32_0 = arith.constant 0 : i32
    %c0_i32_1 = arith.constant 0 : i32
    return %c0_i32, %arg0, %c0_i32_0 : i32, i32, i32
  }
  func.func @transform_5(%arg0: i32) -> (i32, i32) {
    %c0_i32 = arith.constant 0 : i32
    %c0_i32_0 = arith.constant 0 : i32
    %c0_i32_1 = arith.constant 0 : i32
    return %c0_i32, %c0_i32_0 : i32, i32
  }
  func.func @transform_6(%arg0: i32) -> (i32, i32) {
    %c0_i32 = arith.constant 0 : i32
    %c0_i32_0 = arith.constant 0 : i32
    %c0_i32_1 = arith.constant 0 : i32
    return %c0_i32, %c0_i32_0 : i32, i32
  }
  func.func @transform_7(%arg0: i32) -> (i32, i32) {
    %c0_i32 = arith.constant 0 : i32
    %c0_i32_0 = arith.constant 0 : i32
    %c0_i32_1 = arith.constant 0 : i32
    return %c0_i32, %c0_i32_0 : i32, i32
  }
  func.func @transform_8(%arg0: i32) -> (i32, i32) {
    %c0_i32 = arith.constant 0 : i32
    %c0_i32_0 = arith.constant 0 : i32
    return %arg0, %c0_i32 : i32, i32
  }
  func.func @transform_9(%arg0: i32) -> (i32, i32) {
    %c0_i32 = arith.constant 0 : i32
    %c0_i32_0 = arith.constant 0 : i32
    return %arg0, %c0_i32 : i32, i32
  }
}

module attributes {stable_mosaic.version = 14 : i64} {
  func.func @_k4_body(%arg0: i32, %arg1: memref<6400x128xf32, #tpu.memory_space<vmem>>, %arg2: memref<128x64xf32, #tpu.memory_space<vmem>>, %arg3: memref<1x64xf32, #tpu.memory_space<vmem>>, %arg4: memref<64x2xf32, #tpu.memory_space<vmem>>, %arg5: memref<1x2xf32, #tpu.memory_space<vmem>>, %arg6: memref<6400x1xf32, #tpu.memory_space<vmem>>) attributes {dimension_semantics = [#tpu.dimension_semantics<arbitrary>], iteration_bounds = array<i64: 50>, scalar_prefetch = 0 : i64, scratch_operands = 0 : i64, tpu.core_type = #tpu.core_type<tc>, window_params = [{transform_indices = @transform_0, window_bounds = array<i64: 6400, 128>}, {pipeline_mode = #tpu.pipeline_mode<synchronous>, transform_indices = @transform_1, window_bounds = array<i64: 128, 64>}, {pipeline_mode = #tpu.pipeline_mode<synchronous>, transform_indices = @transform_2, window_bounds = array<i64: 1, 64>}, {pipeline_mode = #tpu.pipeline_mode<synchronous>, transform_indices = @transform_3, window_bounds = array<i64: 64, 2>}, {pipeline_mode = #tpu.pipeline_mode<synchronous>, transform_indices = @transform_4, window_bounds = array<i64: 1, 2>}, {transform_indices = @transform_5, window_bounds = array<i64: 6400, 1>}]} {
    %get3A = arith.constant 0 : index
    %get3A_0 = arith.constant 0 : index
    %get3A_1 = vector.load %arg1[%get3A, %get3A_0] : memref<6400x128xf32, #tpu.memory_space<vmem>>, vector<6400x128xf32>
    %get3A_2 = arith.constant 0 : index
    %get3A_3 = arith.constant 0 : index
    %get3A_4 = vector.load %arg2[%get3A_2, %get3A_3] : memref<128x64xf32, #tpu.memory_space<vmem>>, vector<128x64xf32>
    %dot_general3A = arith.constant dense<0.000000e+00> : vector<6400x64xf32>
    %dot_general3A_5 = tpu.matmul %get3A_1, %get3A_4, %dot_general3A {dimension_numbers = #tpu.dot_dimension_numbers<[1], [0], [0], [1], [0, 0, 1, 1], [], []>, transpose_lhs_hint = false} : vector<6400x128xf32>, vector<128x64xf32>, vector<6400x64xf32> -> vector<6400x64xf32>
    %get3A_6 = arith.constant 0 : index
    %get3A_7 = arith.constant 0 : index
    %get3A_8 = vector.load %arg3[%get3A_6, %get3A_7] : memref<1x64xf32, #tpu.memory_space<vmem>>, vector<1x64xf32>
    %add3A = vector.broadcast %get3A_8 : vector<1x64xf32> to vector<6400x64xf32>
    %add3A_9 = arith.addf %dot_general3A_5, %add3A : vector<6400x64xf32>
    %max3A = arith.constant 0.000000e+00 : f32
    %max3A_10 = vector.broadcast %max3A : f32 to vector<6400x64xf32>
    %max3A_11 = arith.maximumf %add3A_9, %max3A_10 : vector<6400x64xf32>
    %get3A_12 = arith.constant 0 : index
    %get3A_13 = arith.constant 1 : index
    %get3A_14 = vector.load %arg4[%get3A_12, %get3A_13] : memref<64x2xf32, #tpu.memory_space<vmem>>, vector<64x1xf32>
    %get3A_15 = arith.constant 0 : index
    %get3A_16 = arith.constant 0 : index
    %get3A_17 = vector.load %arg4[%get3A_15, %get3A_16] : memref<64x2xf32, #tpu.memory_space<vmem>>, vector<64x1xf32>
    %sub3A = arith.subf %get3A_14, %get3A_17 : vector<64x1xf32>
    %dot_general3A_18 = arith.constant dense<0.000000e+00> : vector<6400x1xf32>
    %dot_general3A_19 = tpu.matmul %max3A_11, %sub3A, %dot_general3A_18 {dimension_numbers = #tpu.dot_dimension_numbers<[1], [0], [0], [1], [0, 0, 1, 1], [], []>, transpose_lhs_hint = false} : vector<6400x64xf32>, vector<64x1xf32>, vector<6400x1xf32> -> vector<6400x1xf32>
    %get3A_20 = arith.constant 0 : index
    %get3A_21 = arith.constant 1 : index
    %get3A_22 = vector.load %arg5[%get3A_20, %get3A_21] : memref<1x2xf32, #tpu.memory_space<vmem>>, vector<1x1xf32>
    %get3A_23 = arith.constant 0 : index
    %get3A_24 = arith.constant 0 : index
    %get3A_25 = vector.load %arg5[%get3A_23, %get3A_24] : memref<1x2xf32, #tpu.memory_space<vmem>>, vector<1x1xf32>
    %sub3A_26 = arith.subf %get3A_22, %get3A_25 : vector<1x1xf32>
    %add3A_27 = vector.broadcast %sub3A_26 : vector<1x1xf32> to vector<6400x1xf32>
    %add3A_28 = arith.addf %dot_general3A_19, %add3A_27 : vector<6400x1xf32>
    %logistic3A = arith.negf %add3A_28 : vector<6400x1xf32>
    %logistic3A_29 = math.exp %logistic3A : vector<6400x1xf32>
    %logistic3A_30 = arith.constant 1.000000e+00 : f32
    %logistic3A_31 = vector.broadcast %logistic3A_30 : f32 to vector<6400x1xf32>
    %logistic3A_32 = arith.addf %logistic3A_31, %logistic3A_29 : vector<6400x1xf32>
    %logistic3A_33 = arith.divf %logistic3A_31, %logistic3A_32 : vector<6400x1xf32>
    %swap3A = arith.constant 0 : index
    %swap3A_34 = arith.constant 0 : index
    %swap3A_35 = vector.load %arg6[%swap3A, %swap3A_34] : memref<6400x1xf32, #tpu.memory_space<vmem>>, vector<6400x1xf32>
    tpu.vector_store %arg6[%swap3A, %swap3A_34], %logistic3A_33 {strides = array<i32>} : memref<6400x1xf32, #tpu.memory_space<vmem>>, vector<6400x1xf32>,
    return
  }
  func.func @transform_0(%arg0: i32) -> (i32, i32) {
    %c0_i32 = arith.constant 0 : i32
    %c0_i32_0 = arith.constant 0 : i32
    return %arg0, %c0_i32 : i32, i32
  }
  func.func @transform_1(%arg0: i32) -> (i32, i32) {
    %c0_i32 = arith.constant 0 : i32
    %c0_i32_0 = arith.constant 0 : i32
    %c0_i32_1 = arith.constant 0 : i32
    return %c0_i32, %c0_i32_0 : i32, i32
  }
  func.func @transform_2(%arg0: i32) -> (i32, i32) {
    %c0_i32 = arith.constant 0 : i32
    %c0_i32_0 = arith.constant 0 : i32
    %c0_i32_1 = arith.constant 0 : i32
    return %c0_i32, %c0_i32_0 : i32, i32
  }
  func.func @transform_3(%arg0: i32) -> (i32, i32) {
    %c0_i32 = arith.constant 0 : i32
    %c0_i32_0 = arith.constant 0 : i32
    %c0_i32_1 = arith.constant 0 : i32
    return %c0_i32, %c0_i32_0 : i32, i32
  }
  func.func @transform_4(%arg0: i32) -> (i32, i32) {
    %c0_i32 = arith.constant 0 : i32
    %c0_i32_0 = arith.constant 0 : i32
    %c0_i32_1 = arith.constant 0 : i32
    return %c0_i32, %c0_i32_0 : i32, i32
  }
  func.func @transform_5(%arg0: i32) -> (i32, i32) {
    %c0_i32 = arith.constant 0 : i32
    %c0_i32_0 = arith.constant 0 : i32
    return %arg0, %c0_i32 : i32, i32
  }
}

</mosaic_0001>

<sc_bundles>
// kernel: kernel.10.cloned.1.call-start
scs
__scs_entry_jumppad:
0x0: {  	(pc) =	sbr.rel $0x88, $3  }
0x1: {  	(tag) =	ssettag $0x0;
	lr =	simm.s32 $0x1  }
0x2: {  	[smem:$0x3F95] =	sst lr;
	_ =	strace $0xD0000000  }
0x3: {  	_ = 	snop  }
0x4: {  	_ = 	snop  }
0x5: {  	_ = 	snop  }
0x6: {  	_ = 	snop  }
0x7: {  	_ = 	snop  }
__scs_overlays_trampoline_lowered:
0x8: {  	[smem:$0x3FA4] =	sst s0  }
0x9: {  	[smem:$0x3FA5] =	sst s1  }
0xa: {  	[smem:$0x3FA6] =	sst s2  }
0xb: {  	[smem:$0x3FA7] =	sst s3  }
0xc: {  	[smem:$0x3FA8] =	sst s4  }
0xd: {  	[smem:$0x3FA9] =	sst s5  }
0xe: {  	[smem:$0x3FAA] =	sst s6  }
0xf: {  	[smem:$0x3FAB] =	sst s7  }
0x10: {  	[smem:$0x3FAC] =	sst s8  }
0x11: {  	[smem:$0x3FAD] =	sst s9;
	s0 =	simm.s32 @!p0 $0x0  }
0x12: {  	s1 =	sld [smem:$0x3F93];
	s0 =	simm.s32 @p0 $0x1  }
0x13: {  	[smem:$0x3FAE] =	sst s0;
	s0 =	simm.s32 @!p1 $0x0  }
0x14: {  	s2 =	sld [smem:$0x3F92];
	s0 =	simm.s32 @p1 $0x1  }
0x15: {  	[smem:$0x3FAF] =	sst s0;
	s0 =	simm.s32 @!p2 $0x0  }
0x16: {  	s3 =	sld [smem:$0x3FDB];
	s0 =	simm.s32 @p2 $0x1  }
0x17: {  	s4 =	simm.s32 $0x1BF5;
	[smem:$0x3FB1] =	sst s0  }
0x18: {  	s0 =	sld [smem:$0x3F94];
	_ =	swait.ge [sflag:s4], $0x0  }
0x19: {  	s7 =	sld [smem:$0x3F95]  }
0x1a: {  	s8 =	sadd.s32 $0xFFFFE003, lr  }
0x1b: {  	s9 =	sadd.s32 $0xFFFFFEF7, lr;
	s5 =	simm.s32 $0xFFFFFFFF;
	p2 =	slt.u32 s8, $0xFFFFF086  }
0x1c: {  	p1 =	slt.u32 s9, $0xF7A;
	s5 =	simm.s32 @!p2 $0x0  }
0x1d: {  	s5 =	simm.s32 @p1 $0x1;
	p0 =	seq.s32 s7, s2  }
0x1e: {  	s7 =	smul.u32 @!p0 $0xF7A, s2;
	p2 =	seq.s32 @!p0 s5, $0x0  }
0x1f: {  	s9 =	smul.u32 $0xF7A, s1;
	s8 =	simm.s32 @!p0 $0x1BF5;
	p2 =	por !p2, p0  }
0x20: {  	[sflag:s8] =	ssyncset.s32 @!p0 $0xFFFFF086;
	s6 =	sadd.s32 @!p0 s3, s7;
	s7 =	simm.s32 @!p0 $0x108  }
0x21: {  	s3 =	sadd.s32 s3, s9;
	s6 =	sadd.s32 @!p0 $0x88, s6;
	s7 =	simm.s32 @p2 $0x1082  }
0x22: {  	[simem:s7], [sflag:s8] =	dma.local @!p0 [hbm:s6], $0xF7A  }
0x23: {  	s9 =	sor.u32 $0xD0000000, s2;
	s6 =	simm.s32 $0x108;
	_ =	swait.ge @!p0 [sflag:s8], $0x0  }
0x24: {  	s3 =	sadd.s32 $0x88, s3;
	s6 =	simm.s32 @!p1 $0x1082;
	[sflag:s4] =	ssyncset.s32 $0xFFFFF086  }
0x25: {  	[simem:s6], [sflag:s4] =	dma.local [hbm:s3], $0xF7A  }
0x26: {  	[smem:$0x3F95] =	sst s1;
	(tag) =	ssettag s2;
	_ =	strace s9  }
0x27: {  	s1 =	sld [smem:$0x3FA5]  }
0x28: {  	s2 =	sld [smem:$0x3FA6]  }
0x29: {  	s4 =	sld [smem:$0x3FA8]  }
0x2a: {  	p0 =	seq.s32 s5, $0x0;
	s5 =	sld [smem:$0x3FA9]  }
0x2b: {  	s6 =	sld [smem:$0x3FAA]  }
0x2c: {  	s7 =	sld [smem:$0x3FAB]  }
0x2d: {  	s3 =	simm.s32 $0x108;
	s8 =	sld [smem:$0x3FAC]  }
0x2e: {  	s3 =	simm.s32 @!p0 $0x1082;
	s9 =	sld [smem:$0x3FAD]  }
0x2f: {  	lr =	sadd.s32 s0, s3;
	s0 =	sld [smem:$0x3FA4]  }
0x30: {  	s3 =	sld [smem:$0x3FA7]  }
0x31: {  	[smem:$0x3FB0] =	sst s10  }
0x32: {  	s10 =	sld [smem:$0x3FAE];
	_ =	sdelay $0x3  }
0x33: {  	p0 =	seq.s32 s10, $0x1;
	s10 =	sld [smem:$0x3FB0];
	_ =	sdelay $0x3  }
0x34: {  	[smem:$0x3FB0] =	sst s10  }
0x35: {  	s10 =	sld [smem:$0x3FAF];
	_ =	sdelay $0x3  }
0x36: {  	p1 =	seq.s32 s10, $0x1;
	s10 =	sld [smem:$0x3FB0];
	_ =	sdelay $0x3  }
0x37: {  	[smem:$0x3FB0] =	sst s10  }
0x38: {  	s10 =	sld [smem:$0x3FB1]  }
0x39: {  	_ = 	snop;
	(pc) =	sbr.ind lr, $3  }
0x3a: {  	_ = 	snop  }
0x3b: {  	_ = 	snop  }
0x3c: {  	p2 =	seq.s32 s10, $0x1;
	s10 =	sld [smem:$0x3FB0]  }
0x3d: {  	_ =	shalt  }
0x3e: {  	_ =	shalt  }
0x3f: {  	_ =	shalt  }
0x40: {  	_ =	shalt  }
0x41: {  	_ =	shalt  }
0x42: {  	_ =	shalt  }
0x43: {  	_ =	shalt  }
0x44: {  	_ =	shalt  }
0x45: {  	_ =	shalt  }
0x46: {  	_ =	shalt  }
0x47: {  	_ =	shalt  }
0x48: {  	_ =	shalt  }
0x49: {  	_ =	shalt  }
0x4a: {  	_ =	shalt  }
0x4b: {  	_ =	shalt  }
0x4c: {  	_ =	shalt  }
0x4d: {  	_ =	shalt  }
0x4e: {  	_ =	shalt  }
0x4f: {  	_ =	shalt  }
0x50: {  	_ =	shalt  }
0x51: {  	_ =	shalt  }
0x52: {  	_ =	shalt  }
0x53: {  	_ =	shalt  }
0x54: {  	_ =	shalt  }
0x55: {  	_ =	shalt  }
0x56: {  	_ =	shalt  }
0x57: {  	_ =	shalt  }
0x58: {  	_ =	shalt  }
0x59: {  	_ =	shalt  }
0x5a: {  	_ =	shalt  }
0x5b: {  	_ =	shalt  }
0x5c: {  	_ =	shalt  }
0x5d: {  	_ =	shalt  }
0x5e: {  	_ =	shalt  }
0x5f: {  	_ =	shalt  }
0x60: {  	_ =	shalt  }
0x61: {  	_ =	shalt  }
0x62: {  	_ =	shalt  }
0x63: {  	_ =	shalt  }
0x64: {  	_ =	shalt  }
0x65: {  	_ =	shalt  }
0x66: {  	_ =	shalt  }
0x67: {  	_ =	shalt  }
0x68: {  	_ =	shalt  }
0x69: {  	_ =	shalt  }
0x6a: {  	_ =	shalt  }
0x6b: {  	_ =	shalt  }
0x6c: {  	_ =	shalt  }
0x6d: {  	_ =	shalt  }
0x6e: {  	_ =	shalt  }
0x6f: {  	_ =	shalt  }
0x70: {  	_ =	shalt  }
0x71: {  	_ =	shalt  }
0x72: {  	_ =	shalt  }
0x73: {  	_ =	shalt  }
0x74: {  	_ =	shalt  }
0x75: {  	_ =	shalt  }
0x76: {  	_ =	shalt  }
0x77: {  	_ =	shalt  }
0x78: {  	_ =	shalt  }
0x79: {  	_ =	shalt  }
0x7a: {  	_ =	shalt  }
0x7b: {  	_ =	shalt  }
0x7c: {  	_ =	shalt  }
0x7d: {  	_ =	shalt  }
0x7e: {  	_ =	shalt  }
0x7f: {  	_ =	shalt  }
0x80: {  	_ =	shalt  }
0x81: {  	_ =	shalt  }
0x82: {  	_ =	shalt  }
0x83: {  	_ =	shalt  }
0x84: {  	_ =	shalt  }
0x85: {  	_ =	shalt  }
0x86: {  	_ =	shalt  }
0x87: {  	_ =	shalt  }
.Lfunc_end0:
.L_simem_size_0:
called_computation_lowered:
.L_overlay_start_0:
0x88: {  	s2 =	sld [smem:$0x3FD9]  }
0x89: {  	s3 =	sld [smem:$0x3FFE];
	_ =	sdelay $0x1  }
0x8a: {  	s1 =	srdreg.scid  }
0x8b: {  	s0 =	sand.u32 $0x1, s1  }
0x8c: {  	s16 =	sshll.u32 s0, $0xA;
	s2 =	sadd.s32 s3, s2  }
0x8d: {  	s2 =	sadd.s32 s2, s16  }
0x8e: {  	[smem:$0x3FBC] =	sst s2  }
0x8f: {  	_ = 	snop  }
0x90: {  	(tm) =	ssettm $0x1  }
0x91: {  	s17 =	sld [smem:$0x3FFB];
	_ =	sdelay $0x3  }
0x92: {  	_ =	strace s17  }
0x93: {  	s2 =	sld [smem:$0x3FFC];
	_ =	sdelay $0x3  }
0x94: {  	_ =	strace s2  }
0x95: {  	s2 =	sld [smem:$0x3FFD];
	_ =	sdelay $0x3  }
0x96: {  	_ =	strace s2  }
0x97: {  	_ =	strace $0x8FFFFFFF  }
0x98: {  	s18 =	sld [smem:$0x3FDB];
	_ =	sdelay $0x1  }
0x99: {  	s19 =	simm.s32 $_scs_section_size  }
0x9a: {  	s4 =	simm.s32 $_size__tile_overlayer_lowered;
	s5 =	simm.s32 $_tile_overlayer_lowered  }
0x9b: {  	s22 =	simm.s32 $0x1BFF;
	s21 =	sshll.u32 s5, $0x1;
	s2 =	sadd.s32 s19, s18  }
0x9c: {  	s6 =	simm.s32 $0x0;
	s20 =	sshll.u32 s4, $0x1;
	s4 =	sadd.s32 s21, s2  }
0x9d: {  	[timem:s6], [sflag:s22] =	dma.local [hbm:s4], s20  }
0x9e: {  	_ =	swait.ge [sflag:s22], s20  }
0x9f: {  	s3 =	ssub.s32 $0x0, s20;
	[sflag:s22] =	ssyncset.done $0x0  }
0xa0: {  	[sflag:s22] =	ssyncadd.s32 s3;
	_ =	sdelay $0x1  }
0xa1: {  	s23 =	simm.s32 $0x1B8B  }
0xa2: {  	_ =	swait.ge [sflag:s23], $0x1  }
0xa3: {  	[sflag:s23] =	ssyncset.done $0x0  }
0xa4: {  	s25 =	simm.s32 $0x1B8E;
	s24 =	sld [smem:$0x3FFE];
	[sflag:s23] =	ssyncadd.s32 $0xFFFFFFFF  }
0xa5: {  	s26 =	simm.s32 $execute0_lowered;
	[smem:$0x3FD2] =	sst s25  }
0xa6: {  	s4 =	sshll.u32 s26, $0x1;
	_ =	strace $0x80000046;
	[dreg:$0x1] =	wrdreg $0xFFFFFFFF  }
0xa7: {  	s28 =	simm.s32 $_size_execute0_lowered;
	s2 =	sadd.s32 s2, s4;
	[dreg:$0x0] =	wrdreg $0x0  }
0xa8: {  	s4 =	sshll.u32 s28, $0x1;
	[dreg:$0x2] =	wrdreg s2  }
0xa9: {  	[dreg:$0x3] =	wrdreg s4  }
0xaa: {  	[dreg:$0x4] =	wrdreg $0xC0  }
0xab: {  	_ =	task [dreg:s6], $0x5FFFF  }
0xac: {  	[dreg:$0x1] =	wrdreg $0xFFFFFFFF  }
0xad: {  	[dreg:$0x0] =	wrdreg $0x60  }
0xae: {  	[dreg:$0x2] =	wrdreg s24  }
0xaf: {  	[dreg:$0x3] =	wrdreg $0x2CD00  }
0xb0: {  	[dreg:$0x4] =	wrdreg $0x9  }
0xb1: {  	_ =	task.clear_ibuf [dreg:s6], $0x5FFFF;
	_ =	strace $0x90000046  }
0xb2: {  	s29 =	simm.s32 $0x9;
	_ =	strace $0x80000048  }
0xb3: {  	_ =	swait.ge [sflag:s29], $0x1  }
0xb4: {  	[sflag:s29] =	ssyncadd.s32 $0xFFFFFFFF  }
0xb5: {  	_ =	strace $0x90000048  }
0xb6: {  	_ =	sfence  }
0xb7: {  	s30 =	sld [smem:$0x0];
	_ =	sdelay $0x2  }
0xb8: {  	s31 =	sshll.u32 s1, $0xD;
	s1 =	sshrl.u32 s1, $0x2  }
0xb9: {  	s3 =	sand.u32 $0x4000, s31;
	s1 =	sadd.s32 s1, s30  }
0xba: {  	s0 =	sor.u32 s3, s0;
	s1 =	sshll.u32 s1, $0x11  }
0xbb: {  	s0 =	sor.u32 s1, s0  }
0xbc: {  	s0 =	sadd.s32 $0x8F2B, s0  }
0xbd: {  	[sflag:s0] =	ssyncadd.remote.s32 $0x1  }
0xbe: {  	_ =	sfence.sel $0xFFFF  }
0xbf: {  	[dreg:$0x0] =	wrdreg $0xFFFFFFFF;
	(pc) =	sbr.abs _section_cstart, $3  }
0xc0: {  	[dreg:$0x1] =	wrdreg $0xFFFFFFFF  }
0xc1: {  	_ =	task.clear_ibuf [dreg:s6], $0x2FFFF;
	_ =	strace $0x9FFFFFFF  }
0xc2: {  	(tm) =	ssettm $0x7FFFFFFF  }
0xc3: {  	_ =	shalt  }
tec
execute0_lowered:
.L_overlay_start_1:
0x0: {  	(tag) =	ssettag $0x1  }
0x1: {  	s0 =	srdreg.scid;
	s6 =	rddreg [dreg:$0x0]  }
0x2: {  	s2 =	rddreg [dreg:$0x1];
	s4 =	sand.u32 $0x1, s0  }
0x3: {  	s0 =	stileid.u32;
	s5 =	smul.u32 $0x27100, s4  }
0x4: {  	s1 =	rddreg [dreg:$0x2];
	s3 =	simm.s32 $0x0;
	s7 =	smul.u32 $0x2710, s0  }
0x5: {  	s10 =	simm.s32 $0x50;
	s13 =	simm.s32 $0x0;
	s8 =	smul.u32 $0x2780, s0  }
0x6: {  	[smem:$0x7FF] =	sst s3;
	s9 =	smul.u32 $0x27800, s4;
	s4 =	ssub.s32 $0x2, s4  }
0x7: {  	_ =	strace $0x80000047;
	s11 =	sshll.u32 s0, $0x6;
	s31 =	sshrl.u32 s4, $0x1  }
0x8: {  	s11 =	sor.u32 $0x1C01, s11;
	s5 =	sadd.s32 s7, s5;
	s28 =	sadd.s32 s8, s9  }
0x9: {  	s9 =	simm.s32 $0x1;
	s5 =	sshrl.u32 s5, $0x3;
	s7 =	sshrl.u32 s28, $0x3  }
0xa: {  	s29 =	sadd.s32 s5, s6;
	s30 =	sadd.s32 s7, s6;
	s6 =	ssub.s32 s4, s31  }
0xb: {  	s4 =	sadd.s32 s8, s2;
	s8 =	simm.s32 $0x550;
	s5 =	sadd.s32 $0xE600, s30  }
0xc: {  	v0 =	vimm.f32 $0.0e+00;
	v1 =	vimm.f32 $1.000000000e+00;
	s6 =	smax.u32 s6, $0x1;
	s7 =	sadd.s32 $0x4800, s29;
	s12 =	sshrl.u32 s4, $0x3  }
.LBB2_1:
0xd: {  	s14 =	simm.s32 $0x0  }
.LBB2_2:
0xe: {  	p0 =	sne.s32 s14, $0x9DC0  }
.Ltmp0:
0xf: {  	_ = 	snop;
	(pc) =	sbr.rel @p0 .LBB2_2-.Ltmp0, $3  }
0x10: {  	_ =	sdelay $0x1  }
0x11: {  	s15 =	sshra.s32 s14, $0x2  }
0x12: {  	s14 =	sadd.s32 $0x40, s14;
	[tilespmem:s15+$0x550] =	vst v0  }
0x13: {  	s14 =	simm.s32 $0x40;
	s15 =	simm.s32 $0x0  }
.LBB2_4:
0x14: {  	p0 =	sne.s32 s14, $0x13C0;
	[tilespmem:s15+$0x50] =	vst v1;
	s15 =	smov.u32 s14;
	s14 =	sadd.s32 $0x40, s14  }
.Ltmp1:
0x15: {  	(pc) =	sbr.rel @p0 .LBB2_4-.Ltmp1, $2  }
0x16: {  	_ =	sdelay $0x2  }
0x17: {  	s15 =	sshra.s32 s15, $0x2  }
0x18: {  	[tilespmem:s15+$0x50] =	vst v1  }
0x19: {  	[spmem:s4] =	stream.linear.scatter [tilespmem:s8], [sflag:$0x1], $0x2780, $0x38;
	[tilespmem:$0x5450] =	vst v63  }
0x1a: {  	_ =	swait.ge [sflag:s9], $0x2780  }
0x1b: {  	[sflag:s9] =	ssyncset.done $0x0  }
0x1c: {  	[sflag:s9] =	ssyncadd.s32 $0xFFFFD880  }
0x1d: {  	s14 =	sadd.s32 $0x0, s7;
	[bflag:$0x0] =	sbarrier.arrive $0xFFFF  }
0x1e: {  	[tilespmem:s3], [sflag:$0x1] =	stream.linear.gather [hbm4b:s14+s3], $0x50, $0x38;
	[tilespmem:$0x5450] =	vst v63  }
0x1f: {  	_ =	swait.ge [sflag:s9], $0x50  }
0x20: {  	[sflag:s9] =	ssyncset.done $0x0  }
0x21: {  	[sflag:s9] =	ssyncadd.s32 $0xFFFFFFB0  }
0x22: {  	[spmem:s2] =	stream.indirect.scatter.add.f32 [tilespmem:s10], [sflag:$0x1], $0x10, s3, s10, $0xb8;
	[tilespmem:$0x5450] =	vst v63  }
0x23: {  	_ =	swait.ge [sflag:s9], $0x500  }
0x24: {  	s15 =	simm.s32 $0x14;
	s14 =	simm.s32 $0xA;
	[sflag:s9] =	ssyncset.done $0x0  }
.LBB2_6:
0x25: {  	s16 =	sadd.s32 s14, s7  }
0x26: {  	[sflag:s9] =	ssyncadd.s32 $0xFFFFFB00;
	s14 =	smov.u32 s15;
	s17 =	sadd.s32 $0xA, s15  }
0x27: {  	[tilespmem:s3], [sflag:$0x1] =	stream.linear.gather [hbm4b:s16+s3], $0x50, $0x38;
	[tilespmem:$0x5450] =	vst v63  }
0x28: {  	p0 =	sne.s32 s15, $0x4D8;
	_ =	swait.ge [sflag:s9], $0x50  }
.Ltmp2:
0x29: {  	[sflag:s9] =	ssyncset.done $0x0;
	(pc) =	sbr.rel @p0 .LBB2_6-.Ltmp2, $4  }
0x2a: {  	[sflag:s9] =	ssyncadd.s32 $0xFFFFFFB0  }
0x2b: {  	[spmem:s2] =	stream.indirect.scatter.add.f32 [tilespmem:s10], [sflag:$0x1], $0x10, s3, s10, $0xb8;
	[tilespmem:$0x5450] =	vst v63  }
0x2c: {  	_ =	swait.ge [sflag:s9], $0x500  }
0x2d: {  	s15 =	smov.u32 s17;
	[sflag:s9] =	ssyncset.done $0x0  }
0x2e: {  	s14 =	sadd.s32 s14, s7;
	[sflag:s9] =	ssyncadd.s32 $0xFFFFFB00  }
0x2f: {  	[tilespmem:s3], [sflag:$0x1] =	stream.linear.gather [hbm4b:s14+s3], $0x50, $0x38;
	[tilespmem:$0x5450] =	vst v63  }
0x30: {  	_ =	swait.ge [sflag:s9], $0x50  }
0x31: {  	[sflag:s9] =	ssyncset.done $0x0  }
0x32: {  	[sflag:s9] =	ssyncadd.s32 $0xFFFFFFB0  }
0x33: {  	[spmem:s2] =	stream.indirect.scatter.add.f32 [tilespmem:s10], [sflag:$0x1], $0x10, s3, s10, $0xb8;
	[tilespmem:$0x5450] =	vst v63  }
0x34: {  	_ =	swait.ge [sflag:s9], $0x500  }
0x35: {  	s13 =	sadd.s32 $0x1, s13;
	[sflag:s9] =	ssyncset.done $0x0  }
0x36: {  	p0 =	sne.s32 s13, s6;
	[sflag:s9] =	ssyncadd.s32 $0xFFFFFB00  }
.Ltmp3:
0x37: {  	[bflag:$0x0] =	sbarrier.arrive $0xFFFF;
	(pc) =	sbr.rel @p0 .LBB2_1-.Ltmp3, $4  }
0x38: {  	[hbm:s5], [sflag:s11] =	dma.local [spmem:s12], $0x4F0  }
0x39: {  	_ =	swait.ge [sflag:s9], $0x4F0  }
0x3a: {  	[sflag:s9] =	ssyncset.done $0x0  }
0x3b: {  	[sflag:s9] =	ssyncadd.s32 $0xFFFFFB10  }
0x3c: {  	_ =	sfence.sel $0x180000  }
0x3d: {  	[bflag:$0x0] =	sbarrier.arrive $0xFFFF  }
0x3e: {  	p0 =	sne.s32 s0, $0x0;
	_ =	strace $0x90000047  }
0x3f: {  	s0 =	sadd.s32 @!p0 $0x100000, s1;
	[bflag:$0x2] =	sbarrier.arrive $0xFFFF  }
0x40: {  	[sflag:s0] =	ssyncadd.tile.s32 @!p0 $0x1;
	_ =	shalt  }
.Lfunc_end2:
_tile_overlayer_lowered:
.L_overlay_start_2:
0x41: {  	(tag) =	ssettag $0x2  }
0x42: {  	s0 =	rddreg [dreg:$0x0];
	s2 =	stileid.u32  }
0x43: {  	s1 =	rddreg [dreg:$0x1];
	p0 =	sne.s32 s2, $0x0  }
0x44: {  	s3 =	rddreg [dreg:$0x2];
	[bflag:$0x3] =	sbarrier.arrive $0xFFFF;
	s2 =	simm.s32 @!p0 $0x1C01  }
0x45: {  	[timem:s3], [sflag:s2] =	dma.local @!p0 [hbm:s0], s1  }
0x46: {  	s0 =	simm.s32 @!p0 $0x1  }
0x47: {  	_ =	swait.ge @!p0 [sflag:s0], s1  }
0x48: {  	s1 =	ssub.s32 @!p0 $0x0, s1;
	[sflag:s0] =	ssyncset.done @!p0 $0x0  }
0x49: {  	[sflag:s0] =	ssyncadd.s32 @!p0 s1  }
0x4a: {  	[bflag:$0x3] =	sbarrier.arrive $0xFFFF  }
0x4b: {  	_ =	shalt  }

// kernel: kernel.13.cloned.1.call-start
scs
__scs_entry_jumppad:
0x0: {  	(pc) =	sbr.rel $0x88, $3  }
0x1: {  	(tag) =	ssettag $0x0;
	lr =	simm.s32 $0x1  }
0x2: {  	[smem:$0x3F95] =	sst lr;
	_ =	strace $0xD0000000  }
0x3: {  	_ = 	snop  }
0x4: {  	_ = 	snop  }
0x5: {  	_ = 	snop  }
0x6: {  	_ = 	snop  }
0x7: {  	_ = 	snop  }
__scs_overlays_trampoline_lowered:
0x8: {  	[smem:$0x3FA4] =	sst s0  }
0x9: {  	[smem:$0x3FA5] =	sst s1  }
0xa: {  	[smem:$0x3FA6] =	sst s2  }
0xb: {  	[smem:$0x3FA7] =	sst s3  }
0xc: {  	[smem:$0x3FA8] =	sst s4  }
0xd: {  	[smem:$0x3FA9] =	sst s5  }
0xe: {  	[smem:$0x3FAA] =	sst s6  }
0xf: {  	[smem:$0x3FAB] =	sst s7  }
0x10: {  	[smem:$0x3FAC] =	sst s8  }
0x11: {  	[smem:$0x3FAD] =	sst s9;
	s0 =	simm.s32 @!p0 $0x0  }
0x12: {  	s1 =	sld [smem:$0x3F93];
	s0 =	simm.s32 @p0 $0x1  }
0x13: {  	[smem:$0x3FAE] =	sst s0;
	s0 =	simm.s32 @!p1 $0x0  }
0x14: {  	s2 =	sld [smem:$0x3F92];
	s0 =	simm.s32 @p1 $0x1  }
0x15: {  	[smem:$0x3FAF] =	sst s0;
	s0 =	simm.s32 @!p2 $0x0  }
0x16: {  	s3 =	sld [smem:$0x3FDB];
	s0 =	simm.s32 @p2 $0x1  }
0x17: {  	s4 =	simm.s32 $0x1BF5;
	[smem:$0x3FB1] =	sst s0  }
0x18: {  	s0 =	sld [smem:$0x3F94];
	_ =	swait.ge [sflag:s4], $0x0  }
0x19: {  	s7 =	sld [smem:$0x3F95]  }
0x1a: {  	s8 =	sadd.s32 $0xFFFFE003, lr  }
0x1b: {  	s9 =	sadd.s32 $0xFFFFFEF7, lr;
	s5 =	simm.s32 $0xFFFFFFFF;
	p2 =	slt.u32 s8, $0xFFFFF086  }
0x1c: {  	p1 =	slt.u32 s9, $0xF7A;
	s5 =	simm.s32 @!p2 $0x0  }
0x1d: {  	s5 =	simm.s32 @p1 $0x1;
	p0 =	seq.s32 s7, s2  }
0x1e: {  	s7 =	smul.u32 @!p0 $0xF7A, s2;
	p2 =	seq.s32 @!p0 s5, $0x0  }
0x1f: {  	s9 =	smul.u32 $0xF7A, s1;
	s8 =	simm.s32 @!p0 $0x1BF5;
	p2 =	por !p2, p0  }
0x20: {  	[sflag:s8] =	ssyncset.s32 @!p0 $0xFFFFF086;
	s6 =	sadd.s32 @!p0 s3, s7;
	s7 =	simm.s32 @!p0 $0x108  }
0x21: {  	s3 =	sadd.s32 s3, s9;
	s6 =	sadd.s32 @!p0 $0x88, s6;
	s7 =	simm.s32 @p2 $0x1082  }
0x22: {  	[simem:s7], [sflag:s8] =	dma.local @!p0 [hbm:s6], $0xF7A  }
0x23: {  	s9 =	sor.u32 $0xD0000000, s2;
	s6 =	simm.s32 $0x108;
	_ =	swait.ge @!p0 [sflag:s8], $0x0  }
0x24: {  	s3 =	sadd.s32 $0x88, s3;
	s6 =	simm.s32 @!p1 $0x1082;
	[sflag:s4] =	ssyncset.s32 $0xFFFFF086  }
0x25: {  	[simem:s6], [sflag:s4] =	dma.local [hbm:s3], $0xF7A  }
0x26: {  	[smem:$0x3F95] =	sst s1;
	(tag) =	ssettag s2;
	_ =	strace s9  }
0x27: {  	s1 =	sld [smem:$0x3FA5]  }
0x28: {  	s2 =	sld [smem:$0x3FA6]  }
0x29: {  	s4 =	sld [smem:$0x3FA8]  }
0x2a: {  	p0 =	seq.s32 s5, $0x0;
	s5 =	sld [smem:$0x3FA9]  }
0x2b: {  	s6 =	sld [smem:$0x3FAA]  }
0x2c: {  	s7 =	sld [smem:$0x3FAB]  }
0x2d: {  	s3 =	simm.s32 $0x108;
	s8 =	sld [smem:$0x3FAC]  }
0x2e: {  	s3 =	simm.s32 @!p0 $0x1082;
	s9 =	sld [smem:$0x3FAD]  }
0x2f: {  	lr =	sadd.s32 s0, s3;
	s0 =	sld [smem:$0x3FA4]  }
0x30: {  	s3 =	sld [smem:$0x3FA7]  }
0x31: {  	[smem:$0x3FB0] =	sst s10  }
0x32: {  	s10 =	sld [smem:$0x3FAE];
	_ =	sdelay $0x3  }
0x33: {  	p0 =	seq.s32 s10, $0x1;
	s10 =	sld [smem:$0x3FB0];
	_ =	sdelay $0x3  }
0x34: {  	[smem:$0x3FB0] =	sst s10  }
0x35: {  	s10 =	sld [smem:$0x3FAF];
	_ =	sdelay $0x3  }
0x36: {  	p1 =	seq.s32 s10, $0x1;
	s10 =	sld [smem:$0x3FB0];
	_ =	sdelay $0x3  }
0x37: {  	[smem:$0x3FB0] =	sst s10  }
0x38: {  	s10 =	sld [smem:$0x3FB1]  }
0x39: {  	_ = 	snop;
	(pc) =	sbr.ind lr, $3  }
0x3a: {  	_ = 	snop  }
0x3b: {  	_ = 	snop  }
0x3c: {  	p2 =	seq.s32 s10, $0x1;
	s10 =	sld [smem:$0x3FB0]  }
0x3d: {  	_ =	shalt  }
0x3e: {  	_ =	shalt  }
0x3f: {  	_ =	shalt  }
0x40: {  	_ =	shalt  }
0x41: {  	_ =	shalt  }
0x42: {  	_ =	shalt  }
0x43: {  	_ =	shalt  }
0x44: {  	_ =	shalt  }
0x45: {  	_ =	shalt  }
0x46: {  	_ =	shalt  }
0x47: {  	_ =	shalt  }
0x48: {  	_ =	shalt  }
0x49: {  	_ =	shalt  }
0x4a: {  	_ =	shalt  }
0x4b: {  	_ =	shalt  }
0x4c: {  	_ =	shalt  }
0x4d: {  	_ =	shalt  }
0x4e: {  	_ =	shalt  }
0x4f: {  	_ =	shalt  }
0x50: {  	_ =	shalt  }
0x51: {  	_ =	shalt  }
0x52: {  	_ =	shalt  }
0x53: {  	_ =	shalt  }
0x54: {  	_ =	shalt  }
0x55: {  	_ =	shalt  }
0x56: {  	_ =	shalt  }
0x57: {  	_ =	shalt  }
0x58: {  	_ =	shalt  }
0x59: {  	_ =	shalt  }
0x5a: {  	_ =	shalt  }
0x5b: {  	_ =	shalt  }
0x5c: {  	_ =	shalt  }
0x5d: {  	_ =	shalt  }
0x5e: {  	_ =	shalt  }
0x5f: {  	_ =	shalt  }
0x60: {  	_ =	shalt  }
0x61: {  	_ =	shalt  }
0x62: {  	_ =	shalt  }
0x63: {  	_ =	shalt  }
0x64: {  	_ =	shalt  }
0x65: {  	_ =	shalt  }
0x66: {  	_ =	shalt  }
0x67: {  	_ =	shalt  }
0x68: {  	_ =	shalt  }
0x69: {  	_ =	shalt  }
0x6a: {  	_ =	shalt  }
0x6b: {  	_ =	shalt  }
0x6c: {  	_ =	shalt  }
0x6d: {  	_ =	shalt  }
0x6e: {  	_ =	shalt  }
0x6f: {  	_ =	shalt  }
0x70: {  	_ =	shalt  }
0x71: {  	_ =	shalt  }
0x72: {  	_ =	shalt  }
0x73: {  	_ =	shalt  }
0x74: {  	_ =	shalt  }
0x75: {  	_ =	shalt  }
0x76: {  	_ =	shalt  }
0x77: {  	_ =	shalt  }
0x78: {  	_ =	shalt  }
0x79: {  	_ =	shalt  }
0x7a: {  	_ =	shalt  }
0x7b: {  	_ =	shalt  }
0x7c: {  	_ =	shalt  }
0x7d: {  	_ =	shalt  }
0x7e: {  	_ =	shalt  }
0x7f: {  	_ =	shalt  }
0x80: {  	_ =	shalt  }
0x81: {  	_ =	shalt  }
0x82: {  	_ =	shalt  }
0x83: {  	_ =	shalt  }
0x84: {  	_ =	shalt  }
0x85: {  	_ =	shalt  }
0x86: {  	_ =	shalt  }
0x87: {  	_ =	shalt  }
.Lfunc_end0:
.L_simem_size_0:
called_computation.1_lowered:
.L_overlay_start_0:
0x88: {  	s2 =	sld [smem:$0x3FD9]  }
0x89: {  	s3 =	sld [smem:$0x3FFE];
	_ =	sdelay $0x1  }
0x8a: {  	s1 =	srdreg.scid  }
0x8b: {  	s0 =	sand.u32 $0x1, s1  }
0x8c: {  	s17 =	sshll.u32 s0, $0xA;
	s2 =	sadd.s32 s3, s2  }
0x8d: {  	s2 =	sadd.s32 s2, s17  }
0x8e: {  	[smem:$0x3FBC] =	sst s2  }
0x8f: {  	_ = 	snop  }
0x90: {  	s2 =	sld [smem:$0x3FD0];
	(tm) =	ssettm $0x1  }
0x91: {  	s18 =	sld [smem:$0x3FFB];
	_ =	sdelay $0x3  }
0x92: {  	_ =	strace s18  }
0x93: {  	s3 =	sld [smem:$0x3FFC];
	_ =	sdelay $0x3  }
0x94: {  	_ =	strace s3  }
0x95: {  	s3 =	sld [smem:$0x3FFD];
	_ =	sdelay $0x3  }
0x96: {  	_ =	strace s3  }
0x97: {  	_ =	strace $0x8FFFFFFF  }
0x98: {  	s19 =	sld [smem:$0x3FDB];
	_ =	sdelay $0x1  }
0x99: {  	s4 =	simm.s32 $_scs_section_size  }
0x9a: {  	s5 =	simm.s32 $_size__tile_overlayer_lowered;
	s6 =	simm.s32 $_tile_overlayer_lowered  }
0x9b: {  	s22 =	simm.s32 $0x1BFF;
	s21 =	sshll.u32 s6, $0x1;
	s3 =	sadd.s32 s4, s19  }
0x9c: {  	s7 =	simm.s32 $0x0;
	s20 =	sshll.u32 s5, $0x1;
	s5 =	sadd.s32 s21, s3  }
0x9d: {  	[timem:s7], [sflag:s22] =	dma.local [hbm:s5], s20  }
0x9e: {  	_ =	swait.ge [sflag:s22], s20  }
0x9f: {  	s4 =	ssub.s32 $0x0, s20;
	[sflag:s22] =	ssyncset.done $0x0  }
0xa0: {  	[sflag:s22] =	ssyncadd.s32 s4;
	_ =	sdelay $0x1  }
0xa1: {  	s23 =	simm.s32 $0x1B8B  }
0xa2: {  	_ =	swait.ge [sflag:s23], $0x1  }
0xa3: {  	[sflag:s23] =	ssyncset.done $0x0  }
0xa4: {  	s25 =	simm.s32 $0x1B8E;
	s24 =	sld [smem:$0x3FFE];
	[sflag:s23] =	ssyncadd.s32 $0xFFFFFFFF  }
0xa5: {  	s26 =	simm.s32 $execute0_lowered;
	[smem:$0x3FD2] =	sst s25  }
0xa6: {  	s5 =	sshll.u32 s26, $0x1;
	_ =	strace $0x80000049;
	[dreg:$0x1] =	wrdreg $0xFFFFFFFF  }
0xa7: {  	s28 =	simm.s32 $_size_execute0_lowered;
	s3 =	sadd.s32 s3, s5;
	[dreg:$0x0] =	wrdreg $0x0  }
0xa8: {  	s5 =	sshll.u32 s28, $0x1;
	[dreg:$0x2] =	wrdreg s3  }
0xa9: {  	[dreg:$0x3] =	wrdreg s5  }
0xaa: {  	[dreg:$0x4] =	wrdreg $0xC0  }
0xab: {  	_ =	task [dreg:s7], $0x5FFFF  }
0xac: {  	[dreg:$0x1] =	wrdreg $0xFFFFFFFF  }
0xad: {  	[dreg:$0x0] =	wrdreg $0x60  }
0xae: {  	[dreg:$0x2] =	wrdreg s24  }
0xaf: {  	[dreg:$0x3] =	wrdreg s2  }
0xb0: {  	[dreg:$0x4] =	wrdreg $0xB2A00  }
0xb1: {  	[dreg:$0x5] =	wrdreg $0x9  }
0xb2: {  	_ =	task.clear_ibuf [dreg:s7], $0x6FFFF;
	_ =	strace $0x90000049  }
0xb3: {  	s29 =	simm.s32 $0x9;
	_ =	strace $0x8000004B  }
0xb4: {  	_ =	swait.ge [sflag:s29], $0x1  }
0xb5: {  	[sflag:s29] =	ssyncadd.s32 $0xFFFFFFFF  }
0xb6: {  	_ =	strace $0x9000004B  }
0xb7: {  	_ =	sfence  }
0xb8: {  	s30 =	sld [smem:$0x0];
	_ =	sdelay $0x2  }
0xb9: {  	s31 =	sshll.u32 s1, $0xD;
	s1 =	sshrl.u32 s1, $0x2  }
0xba: {  	s3 =	sand.u32 $0x4000, s31;
	s1 =	sadd.s32 s1, s30  }
0xbb: {  	s0 =	sor.u32 s3, s0;
	s1 =	sshll.u32 s1, $0x11  }
0xbc: {  	s0 =	sor.u32 s1, s0  }
0xbd: {  	s0 =	sadd.s32 $0x8F2B, s0  }
0xbe: {  	[sflag:s0] =	ssyncadd.remote.s32 $0x1  }
0xbf: {  	_ =	sfence.sel $0xFFFF  }
0xc0: {  	[dreg:$0x0] =	wrdreg $0xFFFFFFFF;
	(pc) =	sbr.abs _section_cstart, $3  }
0xc1: {  	[dreg:$0x1] =	wrdreg $0xFFFFFFFF  }
0xc2: {  	_ =	task.clear_ibuf [dreg:s7], $0x2FFFF;
	_ =	strace $0x9FFFFFFF  }
0xc3: {  	(tm) =	ssettm $0x7FFFFFFF  }
tec
execute0_lowered:
.L_overlay_start_1:
0x0: {  	(tag) =	ssettag $0x1  }
0x1: {  	s6 =	rddreg [dreg:$0x0]  }
0x2: {  	s11 =	rddreg [dreg:$0x1]  }
0x3: {  	s0 =	srdreg.scid;
	s2 =	rddreg [dreg:$0x2]  }
0x4: {  	s1 =	rddreg [dreg:$0x3];
	s3 =	simm.s32 $0x0;
	s7 =	sand.u32 $0x1, s0  }
0x5: {  	s14 =	simm.s32 $0x50;
	s0 =	stileid.u32;
	s8 =	smul.u32 $0x27100, s7  }
0x6: {  	s15 =	simm.s32 $0xA0;
	s16 =	simm.s32 $0x1;
	s9 =	smul.u32 $0x2710, s0  }
0x7: {  	s19 =	simm.s32 $0x0;
	[smem:$0x7FF] =	sst s3;
	s10 =	smul.u32 $0x9E00, s0  }
0x8: {  	s4 =	sadd.s32 $0x67400, s6;
	s5 =	sadd.s32 $0x7AE00, s6;
	s12 =	smul.u32 $0x9E000, s7  }
0x9: {  	_ =	strace $0x8000004A;
	s7 =	ssub.s32 $0x2, s7;
	s17 =	sshll.u32 s0, $0x6  }
0xa: {  	s31 =	sshrl.u32 s7, $0x1;
	s17 =	sor.u32 $0x1C02, s17;
	s8 =	sadd.s32 s9, s8  }
0xb: {  	s28 =	sadd.s32 s10, s12;
	s9 =	ssub.s32 s7, s31;
	s12 =	simm.s32 $0x14A0  }
0xc: {  	s29 =	sshrl.u32 s8, $0x3;
	s30 =	sshrl.u32 s28, $0x3;
	s9 =	smax.u32 s9, $0x1  }
0xd: {  	s13 =	sadd.s32 s29, s6;
	s8 =	sadd.s32 s30, s6;
	s6 =	sadd.s32 s10, s2  }
0xe: {  	s11 =	sadd.s32 s29, s11;
	s7 =	sadd.s32 $0xB6000, s8;
	s8 =	sadd.s32 $0x8E800, s8  }
0xf: {  	v0 =	vimm.f32 $0.0e+00;
	s10 =	sadd.s32 $0x4800, s13;
	s13 =	simm.s32 $0x2;
	s18 =	sshrl.u32 s6, $0x3  }
.LBB2_1:
0x10: {  	s21 =	simm.s32 $0x100;
	s20 =	simm.s32 $0x0  }
.LBB2_2:
0x11: {  	p0 =	sne.s32 s21, $0x27700;
	[tilespmem:s20+$0x14D0] =	vst v0;
	s22 =	smov.u32 s21;
	s21 =	sadd.s32 $0x100, s21  }
.Ltmp0:
0x12: {  	[tilespmem:s20+$0x14C0] =	vst v0;
	(pc) =	sbr.rel @p0 .LBB2_2-.Ltmp0, $3  }
0x13: {  	[tilespmem:s20+$0x14A0] =	vst v0  }
0x14: {  	[tilespmem:s20+$0x14B0] =	vst v0;
	_ =	sdelay $0x1  }
0x15: {  	s20 =	sshra.s32 s22, $0x2  }
0x16: {  	[tilespmem:s20+$0x14D0] =	vst v0  }
0x17: {  	[tilespmem:s20+$0x14C0] =	vst v0  }
0x18: {  	[tilespmem:s20+$0x14A0] =	vst v0  }
0x19: {  	[tilespmem:s20+$0x14B0] =	vst v0  }
0x1a: {  	[spmem:s6] =	stream.linear.scatter [tilespmem:s12], [sflag:$0x2], $0x9E00, $0x38;
	[tilespmem:$0x150A0] =	vst v63  }
0x1b: {  	_ =	swait.ge [sflag:s13], $0x9E00  }
0x1c: {  	[sflag:s13] =	ssyncset.done $0x0  }
0x1d: {  	[sflag:s13] =	ssyncadd.s32 $0xFFFF6200  }
0x1e: {  	s30 =	sadd.s32 $0x0, s11;
	[bflag:$0x0] =	sbarrier.arrive $0xFFFF  }
0x1f: {  	[tilespmem:s3], [sflag:$0x2] =	stream.linear.gather [hbm4b:s30+s3], $0x50, $0x38;
	[tilespmem:$0x150A0] =	vst v63  }
0x20: {  	_ =	swait.ge [sflag:s13], $0x50  }
0x21: {  	[sflag:s13] =	ssyncset.done $0x0  }
0x22: {  	s31 =	sadd.s32 $0x0, s10;
	[sflag:s13] =	ssyncadd.s32 $0xFFFFFFB0  }
0x23: {  	[tilespmem:s14], [sflag:$0x2] =	stream.linear.gather [hbm4b:s31+s3], $0x50, $0x38;
	[tilespmem:$0x150A0] =	vst v63  }
0x24: {  	_ =	swait.ge [sflag:s13], $0x50  }
0x25: {  	[sflag:s13] =	ssyncset.done $0x0  }
0x26: {  	[sflag:s13] =	ssyncadd.s32 $0xFFFFFFB0  }
0x27: {  	[tilespmem:s15], [sflag:$0x1] =	stream.indirect.gather [hbm4b:s4+s14], $0x40, s3, s14, $0xb8;
	[tilespmem:$0x150A0] =	vst v63  }
0x28: {  	_ =	swait.ge [sflag:s16], $0x1400  }
0x29: {  	[sflag:s16] =	ssyncset.done $0x0  }
0x2a: {  	[sflag:s16] =	ssyncadd.s32 $0xFFFFEC00  }
0x2b: {  	[spmem:s2] =	stream.indirect.scatter.add.f32 [tilespmem:s15], [sflag:$0x2], $0x40, s14, s14, $0xb8;
	[tilespmem:$0x150A0] =	vst v63  }
0x2c: {  	_ =	swait.ge [sflag:s13], $0x1400  }
0x2d: {  	s20 =	simm.s32 $0xA;
	s21 =	simm.s32 $0x14;
	[sflag:s13] =	ssyncset.done $0x0  }
.LBB2_4:
0x2e: {  	s22 =	sadd.s32 s20, s11  }
0x2f: {  	[sflag:s13] =	ssyncadd.s32 $0xFFFFEC00;
	s23 =	smov.u32 s21;
	s24 =	sadd.s32 $0xA, s21  }
0x30: {  	[tilespmem:s3], [sflag:$0x2] =	stream.linear.gather [hbm4b:s22+s3], $0x50, $0x38;
	[tilespmem:$0x150A0] =	vst v63  }
0x31: {  	p0 =	sne.s32 s21, $0x4D8;
	_ =	swait.ge [sflag:s13], $0x50  }
0x32: {  	[sflag:s13] =	ssyncset.done $0x0  }
0x33: {  	s21 =	sadd.s32 s20, s10;
	s20 =	smov.u32 s23;
	[sflag:s13] =	ssyncadd.s32 $0xFFFFFFB0  }
0x34: {  	[tilespmem:s14], [sflag:$0x2] =	stream.linear.gather [hbm4b:s21+s3], $0x50, $0x38;
	[tilespmem:$0x150A0] =	vst v63  }
0x35: {  	_ =	swait.ge [sflag:s13], $0x50  }
0x36: {  	[sflag:s13] =	ssyncset.done $0x0  }
0x37: {  	[sflag:s13] =	ssyncadd.s32 $0xFFFFFFB0  }
0x38: {  	[tilespmem:s15], [sflag:$0x1] =	stream.indirect.gather [hbm4b:s4+s14], $0x40, s3, s14, $0xb8;
	[tilespmem:$0x150A0] =	vst v63  }
0x39: {  	_ =	swait.ge [sflag:s16], $0x1400  }
.Ltmp1:
0x3a: {  	[sflag:s16] =	ssyncset.done $0x0;
	(pc) =	sbr.rel @p0 .LBB2_4-.Ltmp1, $4  }
0x3b: {  	[sflag:s16] =	ssyncadd.s32 $0xFFFFEC00  }
0x3c: {  	[spmem:s2] =	stream.indirect.scatter.add.f32 [tilespmem:s15], [sflag:$0x2], $0x40, s14, s14, $0xb8;
	[tilespmem:$0x150A0] =	vst v63  }
0x3d: {  	_ =	swait.ge [sflag:s13], $0x1400  }
0x3e: {  	s21 =	smov.u32 s24;
	[sflag:s13] =	ssyncset.done $0x0  }
0x3f: {  	s21 =	sadd.s32 s20, s11;
	[sflag:s13] =	ssyncadd.s32 $0xFFFFEC00  }
0x40: {  	[tilespmem:s3], [sflag:$0x2] =	stream.linear.gather [hbm4b:s21+s3], $0x50, $0x38;
	[tilespmem:$0x150A0] =	vst v63  }
0x41: {  	_ =	swait.ge [sflag:s13], $0x50  }
0x42: {  	[sflag:s13] =	ssyncset.done $0x0  }
0x43: {  	s29 =	sadd.s32 s20, s10;
	[sflag:s13] =	ssyncadd.s32 $0xFFFFFFB0  }
0x44: {  	[tilespmem:s14], [sflag:$0x2] =	stream.linear.gather [hbm4b:s29+s3], $0x50, $0x38;
	[tilespmem:$0x150A0] =	vst v63  }
0x45: {  	_ =	swait.ge [sflag:s13], $0x50  }
0x46: {  	[sflag:s13] =	ssyncset.done $0x0  }
0x47: {  	[sflag:s13] =	ssyncadd.s32 $0xFFFFFFB0  }
0x48: {  	[tilespmem:s15], [sflag:$0x1] =	stream.indirect.gather [hbm4b:s4+s14], $0x40, s3, s14, $0xb8;
	[tilespmem:$0x150A0] =	vst v63  }
0x49: {  	_ =	swait.ge [sflag:s16], $0x1400  }
0x4a: {  	[sflag:s16] =	ssyncset.done $0x0  }
0x4b: {  	[sflag:s16] =	ssyncadd.s32 $0xFFFFEC00  }
0x4c: {  	[spmem:s2] =	stream.indirect.scatter.add.f32 [tilespmem:s15], [sflag:$0x2], $0x40, s14, s14, $0xb8;
	[tilespmem:$0x150A0] =	vst v63  }
0x4d: {  	_ =	swait.ge [sflag:s13], $0x1400  }
0x4e: {  	[sflag:s13] =	ssyncset.done $0x0  }
0x4f: {  	[sflag:s13] =	ssyncadd.s32 $0xFFFFEC00  }
0x50: {  	[bflag:$0x0] =	sbarrier.arrive $0xFFFF  }
0x51: {  	[hbm:s7], [sflag:s17] =	dma.local [spmem:s18], $0x13C0  }
0x52: {  	_ =	swait.ge [sflag:s13], $0x13C0  }
0x53: {  	[sflag:s13] =	ssyncset.done $0x0  }
0x54: {  	[sflag:s13] =	ssyncadd.s32 $0xFFFFEC40  }
0x55: {  	[bflag:$0x0] =	sbarrier.arrive $0xFFFF  }
0x56: {  	[spmem:s6] =	stream.linear.scatter [tilespmem:s12], [sflag:$0x2], $0x9E00, $0x38;
	[tilespmem:$0x150A0] =	vst v63  }
0x57: {  	_ =	swait.ge [sflag:s13], $0x9E00  }
0x58: {  	[sflag:s13] =	ssyncset.done $0x0  }
0x59: {  	[sflag:s13] =	ssyncadd.s32 $0xFFFF6200  }
0x5a: {  	s30 =	sadd.s32 $0x0, s11;
	[bflag:$0x0] =	sbarrier.arrive $0xFFFF  }
0x5b: {  	[tilespmem:s3], [sflag:$0x2] =	stream.linear.gather [hbm4b:s30+s3], $0x50, $0x38;
	[tilespmem:$0x150A0] =	vst v63  }
0x5c: {  	_ =	swait.ge [sflag:s13], $0x50  }
0x5d: {  	[sflag:s13] =	ssyncset.done $0x0  }
0x5e: {  	s31 =	sadd.s32 $0x0, s10;
	[sflag:s13] =	ssyncadd.s32 $0xFFFFFFB0  }
0x5f: {  	[tilespmem:s14], [sflag:$0x2] =	stream.linear.gather [hbm4b:s31+s3], $0x50, $0x38;
	[tilespmem:$0x150A0] =	vst v63  }
0x60: {  	_ =	swait.ge [sflag:s13], $0x50  }
0x61: {  	[sflag:s13] =	ssyncset.done $0x0  }
0x62: {  	[sflag:s13] =	ssyncadd.s32 $0xFFFFFFB0  }
0x63: {  	[tilespmem:s15], [sflag:$0x1] =	stream.indirect.gather [hbm4b:s5+s14], $0x40, s3, s14, $0xb8;
	[tilespmem:$0x150A0] =	vst v63  }
0x64: {  	_ =	swait.ge [sflag:s16], $0x1400  }
0x65: {  	[sflag:s16] =	ssyncset.done $0x0  }
0x66: {  	[sflag:s16] =	ssyncadd.s32 $0xFFFFEC00  }
0x67: {  	[spmem:s2] =	stream.indirect.scatter.add.f32 [tilespmem:s15], [sflag:$0x2], $0x40, s14, s14, $0xb8;
	[tilespmem:$0x150A0] =	vst v63  }
0x68: {  	_ =	swait.ge [sflag:s13], $0x1400  }
0x69: {  	s20 =	simm.s32 $0xA;
	s21 =	simm.s32 $0x14;
	[sflag:s13] =	ssyncset.done $0x0  }
.LBB2_6:
0x6a: {  	s22 =	sadd.s32 s20, s11  }
0x6b: {  	[sflag:s13] =	ssyncadd.s32 $0xFFFFEC00;
	s23 =	smov.u32 s21;
	s24 =	sadd.s32 $0xA, s21  }
0x6c: {  	[tilespmem:s3], [sflag:$0x2] =	stream.linear.gather [hbm4b:s22+s3], $0x50, $0x38;
	[tilespmem:$0x150A0] =	vst v63  }
0x6d: {  	p0 =	sne.s32 s21, $0x4D8;
	_ =	swait.ge [sflag:s13], $0x50  }
0x6e: {  	[sflag:s13] =	ssyncset.done $0x0  }
0x6f: {  	s21 =	sadd.s32 s20, s10;
	s20 =	smov.u32 s23;
	[sflag:s13] =	ssyncadd.s32 $0xFFFFFFB0  }
0x70: {  	[tilespmem:s14], [sflag:$0x2] =	stream.linear.gather [hbm4b:s21+s3], $0x50, $0x38;
	[tilespmem:$0x150A0] =	vst v63  }
0x71: {  	_ =	swait.ge [sflag:s13], $0x50  }
0x72: {  	[sflag:s13] =	ssyncset.done $0x0  }
0x73: {  	[sflag:s13] =	ssyncadd.s32 $0xFFFFFFB0  }
0x74: {  	[tilespmem:s15], [sflag:$0x1] =	stream.indirect.gather [hbm4b:s5+s14], $0x40, s3, s14, $0xb8;
	[tilespmem:$0x150A0] =	vst v63  }
0x75: {  	_ =	swait.ge [sflag:s16], $0x1400  }
.Ltmp2:
0x76: {  	[sflag:s16] =	ssyncset.done $0x0;
	(pc) =	sbr.rel @p0 .LBB2_6-.Ltmp2, $4  }
0x77: {  	[sflag:s16] =	ssyncadd.s32 $0xFFFFEC00  }
0x78: {  	[spmem:s2] =	stream.indirect.scatter.add.f32 [tilespmem:s15], [sflag:$0x2], $0x40, s14, s14, $0xb8;
	[tilespmem:$0x150A0] =	vst v63  }
0x79: {  	_ =	swait.ge [sflag:s13], $0x1400  }
0x7a: {  	s21 =	smov.u32 s24;
	[sflag:s13] =	ssyncset.done $0x0  }
0x7b: {  	s21 =	sadd.s32 s20, s11;
	[sflag:s13] =	ssyncadd.s32 $0xFFFFEC00  }
0x7c: {  	[tilespmem:s3], [sflag:$0x2] =	stream.linear.gather [hbm4b:s21+s3], $0x50, $0x38;
	[tilespmem:$0x150A0] =	vst v63  }
0x7d: {  	_ =	swait.ge [sflag:s13], $0x50  }
0x7e: {  	[sflag:s13] =	ssyncset.done $0x0  }
0x7f: {  	s31 =	sadd.s32 s20, s10;
	[sflag:s13] =	ssyncadd.s32 $0xFFFFFFB0  }
0x80: {  	[tilespmem:s14], [sflag:$0x2] =	stream.linear.gather [hbm4b:s31+s3], $0x50, $0x38;
	[tilespmem:$0x150A0] =	vst v63  }
0x81: {  	_ =	swait.ge [sflag:s13], $0x50  }
0x82: {  	[sflag:s13] =	ssyncset.done $0x0  }
0x83: {  	[sflag:s13] =	ssyncadd.s32 $0xFFFFFFB0  }
0x84: {  	[tilespmem:s15], [sflag:$0x1] =	stream.indirect.gather [hbm4b:s5+s14], $0x40, s3, s14, $0xb8;
	[tilespmem:$0x150A0] =	vst v63  }
0x85: {  	_ =	swait.ge [sflag:s16], $0x1400  }
0x86: {  	[sflag:s16] =	ssyncset.done $0x0  }
0x87: {  	[sflag:s16] =	ssyncadd.s32 $0xFFFFEC00  }
0x88: {  	[spmem:s2] =	stream.indirect.scatter.add.f32 [tilespmem:s15], [sflag:$0x2], $0x40, s14, s14, $0xb8;
	[tilespmem:$0x150A0] =	vst v63  }
0x89: {  	_ =	swait.ge [sflag:s13], $0x1400  }
0x8a: {  	[sflag:s13] =	ssyncset.done $0x0  }
0x8b: {  	s19 =	sadd.s32 $0x1, s19;
	[sflag:s13] =	ssyncadd.s32 $0xFFFFEC00  }
0x8c: {  	p0 =	sne.s32 s19, s9;
	[bflag:$0x0] =	sbarrier.arrive $0xFFFF  }
0x8d: {  	[hbm:s8], [sflag:s17] =	dma.local [spmem:s18], $0x13C0  }
.Ltmp3:
0x8e: {  	_ =	swait.ge [sflag:s13], $0x13C0;
	(pc) =	sbr.rel @p0 .LBB2_1-.Ltmp3, $3  }
0x8f: {  	[sflag:s13] =	ssyncset.done $0x0  }
0x90: {  	[sflag:s13] =	ssyncadd.s32 $0xFFFFEC40  }
0x91: {  	[bflag:$0x0] =	sbarrier.arrive $0xFFFF;
	_ =	sdelay $0x1  }
0x92: {  	_ =	sfence.sel $0x180000  }
0x93: {  	[bflag:$0x0] =	sbarrier.arrive $0xFFFF  }
0x94: {  	p0 =	sne.s32 s0, $0x0;
	_ =	strace $0x9000004A  }
0x95: {  	s0 =	sadd.s32 @!p0 $0x100000, s1;
	[bflag:$0x2] =	sbarrier.arrive $0xFFFF  }
0x96: {  	[sflag:s0] =	ssyncadd.tile.s32 @!p0 $0x1;
	_ =	shalt  }
.Lfunc_end2:
_tile_overlayer_lowered:
.L_overlay_start_2:
0x97: {  	(tag) =	ssettag $0x2  }
0x98: {  	s0 =	rddreg [dreg:$0x0];
	s2 =	stileid.u32  }
0x99: {  	s1 =	rddreg [dreg:$0x1];
	p0 =	sne.s32 s2, $0x0  }
0x9a: {  	s3 =	rddreg [dreg:$0x2];
	[bflag:$0x3] =	sbarrier.arrive $0xFFFF;
	s2 =	simm.s32 @!p0 $0x1C02  }
0x9b: {  	[timem:s3], [sflag:s2] =	dma.local @!p0 [hbm:s0], s1  }
0x9c: {  	s0 =	simm.s32 @!p0 $0x2  }
0x9d: {  	_ =	swait.ge @!p0 [sflag:s0], s1  }
0x9e: {  	s1 =	ssub.s32 @!p0 $0x0, s1;
	[sflag:s0] =	ssyncset.done @!p0 $0x0  }
0x9f: {  	[sflag:s0] =	ssyncadd.s32 @!p0 s1  }
0xa0: {  	[bflag:$0x3] =	sbarrier.arrive $0xFFFF  }
0xa1: {  	_ =	shalt  }

// kernel: kernel.16.cloned.1.call-start
scs
__scs_entry_jumppad:
0x0: {  	(pc) =	sbr.rel $0x88, $3  }
0x1: {  	(tag) =	ssettag $0x0;
	lr =	simm.s32 $0x1  }
0x2: {  	[smem:$0x3F95] =	sst lr;
	_ =	strace $0xD0000000  }
0x3: {  	_ = 	snop  }
0x4: {  	_ = 	snop  }
0x5: {  	_ = 	snop  }
0x6: {  	_ = 	snop  }
0x7: {  	_ = 	snop  }
__scs_overlays_trampoline_lowered:
0x8: {  	[smem:$0x3FA4] =	sst s0  }
0x9: {  	[smem:$0x3FA5] =	sst s1  }
0xa: {  	[smem:$0x3FA6] =	sst s2  }
0xb: {  	[smem:$0x3FA7] =	sst s3  }
0xc: {  	[smem:$0x3FA8] =	sst s4  }
0xd: {  	[smem:$0x3FA9] =	sst s5  }
0xe: {  	[smem:$0x3FAA] =	sst s6  }
0xf: {  	[smem:$0x3FAB] =	sst s7  }
0x10: {  	[smem:$0x3FAC] =	sst s8  }
0x11: {  	[smem:$0x3FAD] =	sst s9;
	s0 =	simm.s32 @!p0 $0x0  }
0x12: {  	s1 =	sld [smem:$0x3F93];
	s0 =	simm.s32 @p0 $0x1  }
0x13: {  	[smem:$0x3FAE] =	sst s0;
	s0 =	simm.s32 @!p1 $0x0  }
0x14: {  	s2 =	sld [smem:$0x3F92];
	s0 =	simm.s32 @p1 $0x1  }
0x15: {  	[smem:$0x3FAF] =	sst s0;
	s0 =	simm.s32 @!p2 $0x0  }
0x16: {  	s3 =	sld [smem:$0x3FDB];
	s0 =	simm.s32 @p2 $0x1  }
0x17: {  	s4 =	simm.s32 $0x1BF5;
	[smem:$0x3FB1] =	sst s0  }
0x18: {  	s0 =	sld [smem:$0x3F94];
	_ =	swait.ge [sflag:s4], $0x0  }
0x19: {  	s7 =	sld [smem:$0x3F95]  }
0x1a: {  	s8 =	sadd.s32 $0xFFFFE003, lr  }
0x1b: {  	s9 =	sadd.s32 $0xFFFFFEF7, lr;
	s5 =	simm.s32 $0xFFFFFFFF;
	p2 =	slt.u32 s8, $0xFFFFF086  }
0x1c: {  	p1 =	slt.u32 s9, $0xF7A;
	s5 =	simm.s32 @!p2 $0x0  }
0x1d: {  	s5 =	simm.s32 @p1 $0x1;
	p0 =	seq.s32 s7, s2  }
0x1e: {  	s7 =	smul.u32 @!p0 $0xF7A, s2;
	p2 =	seq.s32 @!p0 s5, $0x0  }
0x1f: {  	s9 =	smul.u32 $0xF7A, s1;
	s8 =	simm.s32 @!p0 $0x1BF5;
	p2 =	por !p2, p0  }
0x20: {  	[sflag:s8] =	ssyncset.s32 @!p0 $0xFFFFF086;
	s6 =	sadd.s32 @!p0 s3, s7;
	s7 =	simm.s32 @!p0 $0x108  }
0x21: {  	s3 =	sadd.s32 s3, s9;
	s6 =	sadd.s32 @!p0 $0x88, s6;
	s7 =	simm.s32 @p2 $0x1082  }
0x22: {  	[simem:s7], [sflag:s8] =	dma.local @!p0 [hbm:s6], $0xF7A  }
0x23: {  	s9 =	sor.u32 $0xD0000000, s2;
	s6 =	simm.s32 $0x108;
	_ =	swait.ge @!p0 [sflag:s8], $0x0  }
0x24: {  	s3 =	sadd.s32 $0x88, s3;
	s6 =	simm.s32 @!p1 $0x1082;
	[sflag:s4] =	ssyncset.s32 $0xFFFFF086  }
0x25: {  	[simem:s6], [sflag:s4] =	dma.local [hbm:s3], $0xF7A  }
0x26: {  	[smem:$0x3F95] =	sst s1;
	(tag) =	ssettag s2;
	_ =	strace s9  }
0x27: {  	s1 =	sld [smem:$0x3FA5]  }
0x28: {  	s2 =	sld [smem:$0x3FA6]  }
0x29: {  	s4 =	sld [smem:$0x3FA8]  }
0x2a: {  	p0 =	seq.s32 s5, $0x0;
	s5 =	sld [smem:$0x3FA9]  }
0x2b: {  	s6 =	sld [smem:$0x3FAA]  }
0x2c: {  	s7 =	sld [smem:$0x3FAB]  }
0x2d: {  	s3 =	simm.s32 $0x108;
	s8 =	sld [smem:$0x3FAC]  }
0x2e: {  	s3 =	simm.s32 @!p0 $0x1082;
	s9 =	sld [smem:$0x3FAD]  }
0x2f: {  	lr =	sadd.s32 s0, s3;
	s0 =	sld [smem:$0x3FA4]  }
0x30: {  	s3 =	sld [smem:$0x3FA7]  }
0x31: {  	[smem:$0x3FB0] =	sst s10  }
0x32: {  	s10 =	sld [smem:$0x3FAE];
	_ =	sdelay $0x3  }
0x33: {  	p0 =	seq.s32 s10, $0x1;
	s10 =	sld [smem:$0x3FB0];
	_ =	sdelay $0x3  }
0x34: {  	[smem:$0x3FB0] =	sst s10  }
0x35: {  	s10 =	sld [smem:$0x3FAF];
	_ =	sdelay $0x3  }
0x36: {  	p1 =	seq.s32 s10, $0x1;
	s10 =	sld [smem:$0x3FB0];
	_ =	sdelay $0x3  }
0x37: {  	[smem:$0x3FB0] =	sst s10  }
0x38: {  	s10 =	sld [smem:$0x3FB1]  }
0x39: {  	_ = 	snop;
	(pc) =	sbr.ind lr, $3  }
0x3a: {  	_ = 	snop  }
0x3b: {  	_ = 	snop  }
0x3c: {  	p2 =	seq.s32 s10, $0x1;
	s10 =	sld [smem:$0x3FB0]  }
0x3d: {  	_ =	shalt  }
0x3e: {  	_ =	shalt  }
0x3f: {  	_ =	shalt  }
0x40: {  	_ =	shalt  }
0x41: {  	_ =	shalt  }
0x42: {  	_ =	shalt  }
0x43: {  	_ =	shalt  }
0x44: {  	_ =	shalt  }
0x45: {  	_ =	shalt  }
0x46: {  	_ =	shalt  }
0x47: {  	_ =	shalt  }
0x48: {  	_ =	shalt  }
0x49: {  	_ =	shalt  }
0x4a: {  	_ =	shalt  }
0x4b: {  	_ =	shalt  }
0x4c: {  	_ =	shalt  }
0x4d: {  	_ =	shalt  }
0x4e: {  	_ =	shalt  }
0x4f: {  	_ =	shalt  }
0x50: {  	_ =	shalt  }
0x51: {  	_ =	shalt  }
0x52: {  	_ =	shalt  }
0x53: {  	_ =	shalt  }
0x54: {  	_ =	shalt  }
0x55: {  	_ =	shalt  }
0x56: {  	_ =	shalt  }
0x57: {  	_ =	shalt  }
0x58: {  	_ =	shalt  }
0x59: {  	_ =	shalt  }
0x5a: {  	_ =	shalt  }
0x5b: {  	_ =	shalt  }
0x5c: {  	_ =	shalt  }
0x5d: {  	_ =	shalt  }
0x5e: {  	_ =	shalt  }
0x5f: {  	_ =	shalt  }
0x60: {  	_ =	shalt  }
0x61: {  	_ =	shalt  }
0x62: {  	_ =	shalt  }
0x63: {  	_ =	shalt  }
0x64: {  	_ =	shalt  }
0x65: {  	_ =	shalt  }
0x66: {  	_ =	shalt  }
0x67: {  	_ =	shalt  }
0x68: {  	_ =	shalt  }
0x69: {  	_ =	shalt  }
0x6a: {  	_ =	shalt  }
0x6b: {  	_ =	shalt  }
0x6c: {  	_ =	shalt  }
0x6d: {  	_ =	shalt  }
0x6e: {  	_ =	shalt  }
0x6f: {  	_ =	shalt  }
0x70: {  	_ =	shalt  }
0x71: {  	_ =	shalt  }
0x72: {  	_ =	shalt  }
0x73: {  	_ =	shalt  }
0x74: {  	_ =	shalt  }
0x75: {  	_ =	shalt  }
0x76: {  	_ =	shalt  }
0x77: {  	_ =	shalt  }
0x78: {  	_ =	shalt  }
0x79: {  	_ =	shalt  }
0x7a: {  	_ =	shalt  }
0x7b: {  	_ =	shalt  }
0x7c: {  	_ =	shalt  }
0x7d: {  	_ =	shalt  }
0x7e: {  	_ =	shalt  }
0x7f: {  	_ =	shalt  }
0x80: {  	_ =	shalt  }
0x81: {  	_ =	shalt  }
0x82: {  	_ =	shalt  }
0x83: {  	_ =	shalt  }
0x84: {  	_ =	shalt  }
0x85: {  	_ =	shalt  }
0x86: {  	_ =	shalt  }
0x87: {  	_ =	shalt  }
.Lfunc_end0:
.L_simem_size_0:
called_computation.2_lowered:
.L_overlay_start_0:
0x88: {  	s2 =	sld [smem:$0x3FD9]  }
0x89: {  	s3 =	sld [smem:$0x3FFE];
	_ =	sdelay $0x1  }
0x8a: {  	s1 =	srdreg.scid  }
0x8b: {  	s0 =	sand.u32 $0x1, s1  }
0x8c: {  	s17 =	sshll.u32 s0, $0xA;
	s2 =	sadd.s32 s3, s2  }
0x8d: {  	s2 =	sadd.s32 s2, s17  }
0x8e: {  	[smem:$0x3FBC] =	sst s2  }
0x8f: {  	_ = 	snop  }
0x90: {  	s2 =	sld [smem:$0x3FD0];
	(tm) =	ssettm $0x1  }
0x91: {  	s18 =	sld [smem:$0x3FFB];
	_ =	sdelay $0x3  }
0x92: {  	_ =	strace s18  }
0x93: {  	s3 =	sld [smem:$0x3FFC];
	_ =	sdelay $0x3  }
0x94: {  	_ =	strace s3  }
0x95: {  	s3 =	sld [smem:$0x3FFD];
	_ =	sdelay $0x3  }
0x96: {  	_ =	strace s3  }
0x97: {  	_ =	strace $0x8FFFFFFF  }
0x98: {  	s19 =	sld [smem:$0x3FDB];
	_ =	sdelay $0x1  }
0x99: {  	s4 =	simm.s32 $_scs_section_size  }
0x9a: {  	s5 =	simm.s32 $_size__tile_overlayer_lowered;
	s6 =	simm.s32 $_tile_overlayer_lowered  }
0x9b: {  	s22 =	simm.s32 $0x1BFF;
	s21 =	sshll.u32 s6, $0x1;
	s3 =	sadd.s32 s4, s19  }
0x9c: {  	s7 =	simm.s32 $0x0;
	s20 =	sshll.u32 s5, $0x1;
	s5 =	sadd.s32 s21, s3  }
0x9d: {  	[timem:s7], [sflag:s22] =	dma.local [hbm:s5], s20  }
0x9e: {  	_ =	swait.ge [sflag:s22], s20  }
0x9f: {  	s4 =	ssub.s32 $0x0, s20;
	[sflag:s22] =	ssyncset.done $0x0  }
0xa0: {  	[sflag:s22] =	ssyncadd.s32 s4;
	_ =	sdelay $0x1  }
0xa1: {  	s23 =	simm.s32 $0x1B8B  }
0xa2: {  	_ =	swait.ge [sflag:s23], $0x1  }
0xa3: {  	[sflag:s23] =	ssyncset.done $0x0  }
0xa4: {  	s25 =	simm.s32 $0x1B8E;
	s24 =	sld [smem:$0x3FFE];
	[sflag:s23] =	ssyncadd.s32 $0xFFFFFFFF  }
0xa5: {  	s26 =	simm.s32 $execute0_lowered;
	[smem:$0x3FD2] =	sst s25  }
0xa6: {  	s5 =	sshll.u32 s26, $0x1;
	_ =	strace $0x8000004C;
	[dreg:$0x1] =	wrdreg $0xFFFFFFFF  }
0xa7: {  	s28 =	simm.s32 $_size_execute0_lowered;
	s3 =	sadd.s32 s3, s5;
	[dreg:$0x0] =	wrdreg $0x0  }
0xa8: {  	s5 =	sshll.u32 s28, $0x1;
	[dreg:$0x2] =	wrdreg s3  }
0xa9: {  	[dreg:$0x3] =	wrdreg s5  }
0xaa: {  	[dreg:$0x4] =	wrdreg $0xC0  }
0xab: {  	_ =	task [dreg:s7], $0x5FFFF  }
0xac: {  	[dreg:$0x1] =	wrdreg $0xFFFFFFFF  }
0xad: {  	[dreg:$0x0] =	wrdreg $0x60  }
0xae: {  	[dreg:$0x2] =	wrdreg s24  }
0xaf: {  	[dreg:$0x3] =	wrdreg s2  }
0xb0: {  	[dreg:$0x4] =	wrdreg $0xB2A00  }
0xb1: {  	[dreg:$0x5] =	wrdreg $0x9  }
0xb2: {  	_ =	task.clear_ibuf [dreg:s7], $0x6FFFF;
	_ =	strace $0x9000004C  }
0xb3: {  	s29 =	simm.s32 $0x9;
	_ =	strace $0x8000004E  }
0xb4: {  	_ =	swait.ge [sflag:s29], $0x1  }
0xb5: {  	[sflag:s29] =	ssyncadd.s32 $0xFFFFFFFF  }
0xb6: {  	_ =	strace $0x9000004E  }
0xb7: {  	_ =	sfence  }
0xb8: {  	s30 =	sld [smem:$0x0];
	_ =	sdelay $0x2  }
0xb9: {  	s31 =	sshll.u32 s1, $0xD;
	s1 =	sshrl.u32 s1, $0x2  }
0xba: {  	s3 =	sand.u32 $0x4000, s31;
	s1 =	sadd.s32 s1, s30  }
0xbb: {  	s0 =	sor.u32 s3, s0;
	s1 =	sshll.u32 s1, $0x11  }
0xbc: {  	s0 =	sor.u32 s1, s0  }
0xbd: {  	s0 =	sadd.s32 $0x8F2B, s0  }
0xbe: {  	[sflag:s0] =	ssyncadd.remote.s32 $0x1  }
0xbf: {  	_ =	sfence.sel $0xFFFF  }
0xc0: {  	[dreg:$0x0] =	wrdreg $0xFFFFFFFF;
	(pc) =	sbr.abs _section_cstart, $3  }
0xc1: {  	[dreg:$0x1] =	wrdreg $0xFFFFFFFF  }
0xc2: {  	_ =	task.clear_ibuf [dreg:s7], $0x2FFFF;
	_ =	strace $0x9FFFFFFF  }
0xc3: {  	(tm) =	ssettm $0x7FFFFFFF  }
tec
execute0_lowered:
.L_overlay_start_1:
0x0: {  	(tag) =	ssettag $0x1  }
0x1: {  	s6 =	rddreg [dreg:$0x0]  }
0x2: {  	s11 =	rddreg [dreg:$0x1]  }
0x3: {  	s0 =	srdreg.scid;
	s2 =	rddreg [dreg:$0x2]  }
0x4: {  	s1 =	rddreg [dreg:$0x3];
	s3 =	simm.s32 $0x0;
	s7 =	sand.u32 $0x1, s0  }
0x5: {  	s14 =	simm.s32 $0x50;
	s0 =	stileid.u32;
	s8 =	smul.u32 $0x27100, s7  }
0x6: {  	s15 =	simm.s32 $0xA0;
	s16 =	simm.s32 $0x1;
	s9 =	smul.u32 $0x2710, s0  }
0x7: {  	s19 =	simm.s32 $0x0;
	[smem:$0x7FF] =	sst s3;
	s10 =	smul.u32 $0x9E00, s0  }
0x8: {  	s4 =	sadd.s32 $0xB5800, s6;
	s5 =	sadd.s32 $0xC9200, s6;
	s12 =	smul.u32 $0x9E000, s7  }
0x9: {  	_ =	strace $0x8000004D;
	s7 =	ssub.s32 $0x2, s7;
	s17 =	sshll.u32 s0, $0x6  }
0xa: {  	s31 =	sshrl.u32 s7, $0x1;
	s17 =	sor.u32 $0x1C02, s17;
	s8 =	sadd.s32 s9, s8  }
0xb: {  	s28 =	sadd.s32 s10, s12;
	s9 =	ssub.s32 s7, s31;
	s12 =	simm.s32 $0x14A0  }
0xc: {  	s29 =	sshrl.u32 s8, $0x3;
	s30 =	sshrl.u32 s28, $0x3;
	s9 =	smax.u32 s9, $0x1  }
0xd: {  	s13 =	sadd.s32 s29, s6;
	s8 =	sadd.s32 s30, s6;
	s6 =	sadd.s32 s10, s2  }
0xe: {  	s11 =	sadd.s32 s29, s11;
	s7 =	sadd.s32 $0x104400, s8;
	s8 =	sadd.s32 $0xDCC00, s8  }
0xf: {  	v0 =	vimm.f32 $0.0e+00;
	s10 =	sadd.s32 $0x4800, s13;
	s13 =	simm.s32 $0x2;
	s18 =	sshrl.u32 s6, $0x3  }
.LBB2_1:
0x10: {  	s21 =	simm.s32 $0x100;
	s20 =	simm.s32 $0x0  }
.LBB2_2:
0x11: {  	p0 =	sne.s32 s21, $0x27700;
	[tilespmem:s20+$0x14D0] =	vst v0;
	s22 =	smov.u32 s21;
	s21 =	sadd.s32 $0x100, s21  }
.Ltmp0:
0x12: {  	[tilespmem:s20+$0x14C0] =	vst v0;
	(pc) =	sbr.rel @p0 .LBB2_2-.Ltmp0, $3  }
0x13: {  	[tilespmem:s20+$0x14A0] =	vst v0  }
0x14: {  	[tilespmem:s20+$0x14B0] =	vst v0;
	_ =	sdelay $0x1  }
0x15: {  	s20 =	sshra.s32 s22, $0x2  }
0x16: {  	[tilespmem:s20+$0x14D0] =	vst v0  }
0x17: {  	[tilespmem:s20+$0x14C0] =	vst v0  }
0x18: {  	[tilespmem:s20+$0x14A0] =	vst v0  }
0x19: {  	[tilespmem:s20+$0x14B0] =	vst v0  }
0x1a: {  	[spmem:s6] =	stream.linear.scatter [tilespmem:s12], [sflag:$0x2], $0x9E00, $0x38;
	[tilespmem:$0x150A0] =	vst v63  }
0x1b: {  	_ =	swait.ge [sflag:s13], $0x9E00  }
0x1c: {  	[sflag:s13] =	ssyncset.done $0x0  }
0x1d: {  	[sflag:s13] =	ssyncadd.s32 $0xFFFF6200  }
0x1e: {  	s30 =	sadd.s32 $0x0, s11;
	[bflag:$0x0] =	sbarrier.arrive $0xFFFF  }
0x1f: {  	[tilespmem:s3], [sflag:$0x2] =	stream.linear.gather [hbm4b:s30+s3], $0x50, $0x38;
	[tilespmem:$0x150A0] =	vst v63  }
0x20: {  	_ =	swait.ge [sflag:s13], $0x50  }
0x21: {  	[sflag:s13] =	ssyncset.done $0x0  }
0x22: {  	s31 =	sadd.s32 $0x0, s10;
	[sflag:s13] =	ssyncadd.s32 $0xFFFFFFB0  }
0x23: {  	[tilespmem:s14], [sflag:$0x2] =	stream.linear.gather [hbm4b:s31+s3], $0x50, $0x38;
	[tilespmem:$0x150A0] =	vst v63  }
0x24: {  	_ =	swait.ge [sflag:s13], $0x50  }
0x25: {  	[sflag:s13] =	ssyncset.done $0x0  }
0x26: {  	[sflag:s13] =	ssyncadd.s32 $0xFFFFFFB0  }
0x27: {  	[tilespmem:s15], [sflag:$0x1] =	stream.indirect.gather [hbm4b:s4+s14], $0x40, s3, s14, $0xb8;
	[tilespmem:$0x150A0] =	vst v63  }
0x28: {  	_ =	swait.ge [sflag:s16], $0x1400  }
0x29: {  	[sflag:s16] =	ssyncset.done $0x0  }
0x2a: {  	[sflag:s16] =	ssyncadd.s32 $0xFFFFEC00  }
0x2b: {  	[spmem:s2] =	stream.indirect.scatter.add.f32 [tilespmem:s15], [sflag:$0x2], $0x40, s14, s14, $0xb8;
	[tilespmem:$0x150A0] =	vst v63  }
0x2c: {  	_ =	swait.ge [sflag:s13], $0x1400  }
0x2d: {  	s20 =	simm.s32 $0xA;
	s21 =	simm.s32 $0x14;
	[sflag:s13] =	ssyncset.done $0x0  }
.LBB2_4:
0x2e: {  	s22 =	sadd.s32 s20, s11  }
0x2f: {  	[sflag:s13] =	ssyncadd.s32 $0xFFFFEC00;
	s23 =	smov.u32 s21;
	s24 =	sadd.s32 $0xA, s21  }
0x30: {  	[tilespmem:s3], [sflag:$0x2] =	stream.linear.gather [hbm4b:s22+s3], $0x50, $0x38;
	[tilespmem:$0x150A0] =	vst v63  }
0x31: {  	p0 =	sne.s32 s21, $0x4D8;
	_ =	swait.ge [sflag:s13], $0x50  }
0x32: {  	[sflag:s13] =	ssyncset.done $0x0  }
0x33: {  	s21 =	sadd.s32 s20, s10;
	s20 =	smov.u32 s23;
	[sflag:s13] =	ssyncadd.s32 $0xFFFFFFB0  }
0x34: {  	[tilespmem:s14], [sflag:$0x2] =	stream.linear.gather [hbm4b:s21+s3], $0x50, $0x38;
	[tilespmem:$0x150A0] =	vst v63  }
0x35: {  	_ =	swait.ge [sflag:s13], $0x50  }
0x36: {  	[sflag:s13] =	ssyncset.done $0x0  }
0x37: {  	[sflag:s13] =	ssyncadd.s32 $0xFFFFFFB0  }
0x38: {  	[tilespmem:s15], [sflag:$0x1] =	stream.indirect.gather [hbm4b:s4+s14], $0x40, s3, s14, $0xb8;
	[tilespmem:$0x150A0] =	vst v63  }
0x39: {  	_ =	swait.ge [sflag:s16], $0x1400  }
.Ltmp1:
0x3a: {  	[sflag:s16] =	ssyncset.done $0x0;
	(pc) =	sbr.rel @p0 .LBB2_4-.Ltmp1, $4  }
0x3b: {  	[sflag:s16] =	ssyncadd.s32 $0xFFFFEC00  }
0x3c: {  	[spmem:s2] =	stream.indirect.scatter.add.f32 [tilespmem:s15], [sflag:$0x2], $0x40, s14, s14, $0xb8;
	[tilespmem:$0x150A0] =	vst v63  }
0x3d: {  	_ =	swait.ge [sflag:s13], $0x1400  }
0x3e: {  	s21 =	smov.u32 s24;
	[sflag:s13] =	ssyncset.done $0x0  }
0x3f: {  	s21 =	sadd.s32 s20, s11;
	[sflag:s13] =	ssyncadd.s32 $0xFFFFEC00  }
0x40: {  	[tilespmem:s3], [sflag:$0x2] =	stream.linear.gather [hbm4b:s21+s3], $0x50, $0x38;
	[tilespmem:$0x150A0] =	vst v63  }
0x41: {  	_ =	swait.ge [sflag:s13], $0x50  }
0x42: {  	[sflag:s13] =	ssyncset.done $0x0  }
0x43: {  	s29 =	sadd.s32 s20, s10;
	[sflag:s13] =	ssyncadd.s32 $0xFFFFFFB0  }
0x44: {  	[tilespmem:s14], [sflag:$0x2] =	stream.linear.gather [hbm4b:s29+s3], $0x50, $0x38;
	[tilespmem:$0x150A0] =	vst v63  }
0x45: {  	_ =	swait.ge [sflag:s13], $0x50  }
0x46: {  	[sflag:s13] =	ssyncset.done $0x0  }
0x47: {  	[sflag:s13] =	ssyncadd.s32 $0xFFFFFFB0  }
0x48: {  	[tilespmem:s15], [sflag:$0x1] =	stream.indirect.gather [hbm4b:s4+s14], $0x40, s3, s14, $0xb8;
	[tilespmem:$0x150A0] =	vst v63  }
0x49: {  	_ =	swait.ge [sflag:s16], $0x1400  }
0x4a: {  	[sflag:s16] =	ssyncset.done $0x0  }
0x4b: {  	[sflag:s16] =	ssyncadd.s32 $0xFFFFEC00  }
0x4c: {  	[spmem:s2] =	stream.indirect.scatter.add.f32 [tilespmem:s15], [sflag:$0x2], $0x40, s14, s14, $0xb8;
	[tilespmem:$0x150A0] =	vst v63  }
0x4d: {  	_ =	swait.ge [sflag:s13], $0x1400  }
0x4e: {  	[sflag:s13] =	ssyncset.done $0x0  }
0x4f: {  	[sflag:s13] =	ssyncadd.s32 $0xFFFFEC00  }
0x50: {  	[bflag:$0x0] =	sbarrier.arrive $0xFFFF  }
0x51: {  	[hbm:s7], [sflag:s17] =	dma.local [spmem:s18], $0x13C0  }
0x52: {  	_ =	swait.ge [sflag:s13], $0x13C0  }
0x53: {  	[sflag:s13] =	ssyncset.done $0x0  }
0x54: {  	[sflag:s13] =	ssyncadd.s32 $0xFFFFEC40  }
0x55: {  	[bflag:$0x0] =	sbarrier.arrive $0xFFFF  }
0x56: {  	[spmem:s6] =	stream.linear.scatter [tilespmem:s12], [sflag:$0x2], $0x9E00, $0x38;
	[tilespmem:$0x150A0] =	vst v63  }
0x57: {  	_ =	swait.ge [sflag:s13], $0x9E00  }
0x58: {  	[sflag:s13] =	ssyncset.done $0x0  }
0x59: {  	[sflag:s13] =	ssyncadd.s32 $0xFFFF6200  }
0x5a: {  	s30 =	sadd.s32 $0x0, s11;
	[bflag:$0x0] =	sbarrier.arrive $0xFFFF  }
0x5b: {  	[tilespmem:s3], [sflag:$0x2] =	stream.linear.gather [hbm4b:s30+s3], $0x50, $0x38;
	[tilespmem:$0x150A0] =	vst v63  }
0x5c: {  	_ =	swait.ge [sflag:s13], $0x50  }
0x5d: {  	[sflag:s13] =	ssyncset.done $0x0  }
0x5e: {  	s31 =	sadd.s32 $0x0, s10;
	[sflag:s13] =	ssyncadd.s32 $0xFFFFFFB0  }
0x5f: {  	[tilespmem:s14], [sflag:$0x2] =	stream.linear.gather [hbm4b:s31+s3], $0x50, $0x38;
	[tilespmem:$0x150A0] =	vst v63  }
0x60: {  	_ =	swait.ge [sflag:s13], $0x50  }
0x61: {  	[sflag:s13] =	ssyncset.done $0x0  }
0x62: {  	[sflag:s13] =	ssyncadd.s32 $0xFFFFFFB0  }
0x63: {  	[tilespmem:s15], [sflag:$0x1] =	stream.indirect.gather [hbm4b:s5+s14], $0x40, s3, s14, $0xb8;
	[tilespmem:$0x150A0] =	vst v63  }
0x64: {  	_ =	swait.ge [sflag:s16], $0x1400  }
0x65: {  	[sflag:s16] =	ssyncset.done $0x0  }
0x66: {  	[sflag:s16] =	ssyncadd.s32 $0xFFFFEC00  }
0x67: {  	[spmem:s2] =	stream.indirect.scatter.add.f32 [tilespmem:s15], [sflag:$0x2], $0x40, s14, s14, $0xb8;
	[tilespmem:$0x150A0] =	vst v63  }
0x68: {  	_ =	swait.ge [sflag:s13], $0x1400  }
0x69: {  	s20 =	simm.s32 $0xA;
	s21 =	simm.s32 $0x14;
	[sflag:s13] =	ssyncset.done $0x0  }
.LBB2_6:
0x6a: {  	s22 =	sadd.s32 s20, s11  }
0x6b: {  	[sflag:s13] =	ssyncadd.s32 $0xFFFFEC00;
	s23 =	smov.u32 s21;
	s24 =	sadd.s32 $0xA, s21  }
0x6c: {  	[tilespmem:s3], [sflag:$0x2] =	stream.linear.gather [hbm4b:s22+s3], $0x50, $0x38;
	[tilespmem:$0x150A0] =	vst v63  }
0x6d: {  	p0 =	sne.s32 s21, $0x4D8;
	_ =	swait.ge [sflag:s13], $0x50  }
0x6e: {  	[sflag:s13] =	ssyncset.done $0x0  }
0x6f: {  	s21 =	sadd.s32 s20, s10;
	s20 =	smov.u32 s23;
	[sflag:s13] =	ssyncadd.s32 $0xFFFFFFB0  }
0x70: {  	[tilespmem:s14], [sflag:$0x2] =	stream.linear.gather [hbm4b:s21+s3], $0x50, $0x38;
	[tilespmem:$0x150A0] =	vst v63  }
0x71: {  	_ =	swait.ge [sflag:s13], $0x50  }
0x72: {  	[sflag:s13] =	ssyncset.done $0x0  }
0x73: {  	[sflag:s13] =	ssyncadd.s32 $0xFFFFFFB0  }
0x74: {  	[tilespmem:s15], [sflag:$0x1] =	stream.indirect.gather [hbm4b:s5+s14], $0x40, s3, s14, $0xb8;
	[tilespmem:$0x150A0] =	vst v63  }
0x75: {  	_ =	swait.ge [sflag:s16], $0x1400  }
.Ltmp2:
0x76: {  	[sflag:s16] =	ssyncset.done $0x0;
	(pc) =	sbr.rel @p0 .LBB2_6-.Ltmp2, $4  }
0x77: {  	[sflag:s16] =	ssyncadd.s32 $0xFFFFEC00  }
0x78: {  	[spmem:s2] =	stream.indirect.scatter.add.f32 [tilespmem:s15], [sflag:$0x2], $0x40, s14, s14, $0xb8;
	[tilespmem:$0x150A0] =	vst v63  }
0x79: {  	_ =	swait.ge [sflag:s13], $0x1400  }
0x7a: {  	s21 =	smov.u32 s24;
	[sflag:s13] =	ssyncset.done $0x0  }
0x7b: {  	s21 =	sadd.s32 s20, s11;
	[sflag:s13] =	ssyncadd.s32 $0xFFFFEC00  }
0x7c: {  	[tilespmem:s3], [sflag:$0x2] =	stream.linear.gather [hbm4b:s21+s3], $0x50, $0x38;
	[tilespmem:$0x150A0] =	vst v63  }
0x7d: {  	_ =	swait.ge [sflag:s13], $0x50  }
0x7e: {  	[sflag:s13] =	ssyncset.done $0x0  }
0x7f: {  	s31 =	sadd.s32 s20, s10;
	[sflag:s13] =	ssyncadd.s32 $0xFFFFFFB0  }
0x80: {  	[tilespmem:s14], [sflag:$0x2] =	stream.linear.gather [hbm4b:s31+s3], $0x50, $0x38;
	[tilespmem:$0x150A0] =	vst v63  }
0x81: {  	_ =	swait.ge [sflag:s13], $0x50  }
0x82: {  	[sflag:s13] =	ssyncset.done $0x0  }
0x83: {  	[sflag:s13] =	ssyncadd.s32 $0xFFFFFFB0  }
0x84: {  	[tilespmem:s15], [sflag:$0x1] =	stream.indirect.gather [hbm4b:s5+s14], $0x40, s3, s14, $0xb8;
	[tilespmem:$0x150A0] =	vst v63  }
0x85: {  	_ =	swait.ge [sflag:s16], $0x1400  }
0x86: {  	[sflag:s16] =	ssyncset.done $0x0  }
0x87: {  	[sflag:s16] =	ssyncadd.s32 $0xFFFFEC00  }
0x88: {  	[spmem:s2] =	stream.indirect.scatter.add.f32 [tilespmem:s15], [sflag:$0x2], $0x40, s14, s14, $0xb8;
	[tilespmem:$0x150A0] =	vst v63  }
0x89: {  	_ =	swait.ge [sflag:s13], $0x1400  }
0x8a: {  	[sflag:s13] =	ssyncset.done $0x0  }
0x8b: {  	s19 =	sadd.s32 $0x1, s19;
	[sflag:s13] =	ssyncadd.s32 $0xFFFFEC00  }
0x8c: {  	p0 =	sne.s32 s19, s9;
	[bflag:$0x0] =	sbarrier.arrive $0xFFFF  }
0x8d: {  	[hbm:s8], [sflag:s17] =	dma.local [spmem:s18], $0x13C0  }
.Ltmp3:
0x8e: {  	_ =	swait.ge [sflag:s13], $0x13C0;
	(pc) =	sbr.rel @p0 .LBB2_1-.Ltmp3, $3  }
0x8f: {  	[sflag:s13] =	ssyncset.done $0x0  }
0x90: {  	[sflag:s13] =	ssyncadd.s32 $0xFFFFEC40  }
0x91: {  	[bflag:$0x0] =	sbarrier.arrive $0xFFFF;
	_ =	sdelay $0x1  }
0x92: {  	_ =	sfence.sel $0x180000  }
0x93: {  	[bflag:$0x0] =	sbarrier.arrive $0xFFFF  }
0x94: {  	p0 =	sne.s32 s0, $0x0;
	_ =	strace $0x9000004D  }
0x95: {  	s0 =	sadd.s32 @!p0 $0x100000, s1;
	[bflag:$0x2] =	sbarrier.arrive $0xFFFF  }
0x96: {  	[sflag:s0] =	ssyncadd.tile.s32 @!p0 $0x1;
	_ =	shalt  }
.Lfunc_end2:
_tile_overlayer_lowered:
.L_overlay_start_2:
0x97: {  	(tag) =	ssettag $0x2  }
0x98: {  	s0 =	rddreg [dreg:$0x0];
	s2 =	stileid.u32  }
0x99: {  	s1 =	rddreg [dreg:$0x1];
	p0 =	sne.s32 s2, $0x0  }
0x9a: {  	s3 =	rddreg [dreg:$0x2];
	[bflag:$0x3] =	sbarrier.arrive $0xFFFF;
	s2 =	simm.s32 @!p0 $0x1C02  }
0x9b: {  	[timem:s3], [sflag:s2] =	dma.local @!p0 [hbm:s0], s1  }
0x9c: {  	s0 =	simm.s32 @!p0 $0x2  }
0x9d: {  	_ =	swait.ge @!p0 [sflag:s0], s1  }
0x9e: {  	s1 =	ssub.s32 @!p0 $0x0, s1;
	[sflag:s0] =	ssyncset.done @!p0 $0x0  }
0x9f: {  	[sflag:s0] =	ssyncadd.s32 @!p0 s1  }
0xa0: {  	[bflag:$0x3] =	sbarrier.arrive $0xFFFF  }
0xa1: {  	_ =	shalt  }

// kernel: kernel.19.cloned.1.call-start
scs
__scs_entry_jumppad:
0x0: {  	(pc) =	sbr.rel $0x88, $3  }
0x1: {  	(tag) =	ssettag $0x0;
	lr =	simm.s32 $0x1  }
0x2: {  	[smem:$0x3F95] =	sst lr;
	_ =	strace $0xD0000000  }
0x3: {  	_ = 	snop  }
0x4: {  	_ = 	snop  }
0x5: {  	_ = 	snop  }
0x6: {  	_ = 	snop  }
0x7: {  	_ = 	snop  }
__scs_overlays_trampoline_lowered:
0x8: {  	[smem:$0x3FA4] =	sst s0  }
0x9: {  	[smem:$0x3FA5] =	sst s1  }
0xa: {  	[smem:$0x3FA6] =	sst s2  }
0xb: {  	[smem:$0x3FA7] =	sst s3  }
0xc: {  	[smem:$0x3FA8] =	sst s4  }
0xd: {  	[smem:$0x3FA9] =	sst s5  }
0xe: {  	[smem:$0x3FAA] =	sst s6  }
0xf: {  	[smem:$0x3FAB] =	sst s7  }
0x10: {  	[smem:$0x3FAC] =	sst s8  }
0x11: {  	[smem:$0x3FAD] =	sst s9;
	s0 =	simm.s32 @!p0 $0x0  }
0x12: {  	s1 =	sld [smem:$0x3F93];
	s0 =	simm.s32 @p0 $0x1  }
0x13: {  	[smem:$0x3FAE] =	sst s0;
	s0 =	simm.s32 @!p1 $0x0  }
0x14: {  	s2 =	sld [smem:$0x3F92];
	s0 =	simm.s32 @p1 $0x1  }
0x15: {  	[smem:$0x3FAF] =	sst s0;
	s0 =	simm.s32 @!p2 $0x0  }
0x16: {  	s3 =	sld [smem:$0x3FDB];
	s0 =	simm.s32 @p2 $0x1  }
0x17: {  	s4 =	simm.s32 $0x1BF5;
	[smem:$0x3FB1] =	sst s0  }
0x18: {  	s0 =	sld [smem:$0x3F94];
	_ =	swait.ge [sflag:s4], $0x0  }
0x19: {  	s7 =	sld [smem:$0x3F95]  }
0x1a: {  	s8 =	sadd.s32 $0xFFFFE003, lr  }
0x1b: {  	s9 =	sadd.s32 $0xFFFFFEF7, lr;
	s5 =	simm.s32 $0xFFFFFFFF;
	p2 =	slt.u32 s8, $0xFFFFF086  }
0x1c: {  	p1 =	slt.u32 s9, $0xF7A;
	s5 =	simm.s32 @!p2 $0x0  }
0x1d: {  	s5 =	simm.s32 @p1 $0x1;
	p0 =	seq.s32 s7, s2  }
0x1e: {  	s7 =	smul.u32 @!p0 $0xF7A, s2;
	p2 =	seq.s32 @!p0 s5, $0x0  }
0x1f: {  	s9 =	smul.u32 $0xF7A, s1;
	s8 =	simm.s32 @!p0 $0x1BF5;
	p2 =	por !p2, p0  }
0x20: {  	[sflag:s8] =	ssyncset.s32 @!p0 $0xFFFFF086;
	s6 =	sadd.s32 @!p0 s3, s7;
	s7 =	simm.s32 @!p0 $0x108  }
0x21: {  	s3 =	sadd.s32 s3, s9;
	s6 =	sadd.s32 @!p0 $0x88, s6;
	s7 =	simm.s32 @p2 $0x1082  }
0x22: {  	[simem:s7], [sflag:s8] =	dma.local @!p0 [hbm:s6], $0xF7A  }
0x23: {  	s9 =	sor.u32 $0xD0000000, s2;
	s6 =	simm.s32 $0x108;
	_ =	swait.ge @!p0 [sflag:s8], $0x0  }
0x24: {  	s3 =	sadd.s32 $0x88, s3;
	s6 =	simm.s32 @!p1 $0x1082;
	[sflag:s4] =	ssyncset.s32 $0xFFFFF086  }
0x25: {  	[simem:s6], [sflag:s4] =	dma.local [hbm:s3], $0xF7A  }
0x26: {  	[smem:$0x3F95] =	sst s1;
	(tag) =	ssettag s2;
	_ =	strace s9  }
0x27: {  	s1 =	sld [smem:$0x3FA5]  }
0x28: {  	s2 =	sld [smem:$0x3FA6]  }
0x29: {  	s4 =	sld [smem:$0x3FA8]  }
0x2a: {  	p0 =	seq.s32 s5, $0x0;
	s5 =	sld [smem:$0x3FA9]  }
0x2b: {  	s6 =	sld [smem:$0x3FAA]  }
0x2c: {  	s7 =	sld [smem:$0x3FAB]  }
0x2d: {  	s3 =	simm.s32 $0x108;
	s8 =	sld [smem:$0x3FAC]  }
0x2e: {  	s3 =	simm.s32 @!p0 $0x1082;
	s9 =	sld [smem:$0x3FAD]  }
0x2f: {  	lr =	sadd.s32 s0, s3;
	s0 =	sld [smem:$0x3FA4]  }
0x30: {  	s3 =	sld [smem:$0x3FA7]  }
0x31: {  	[smem:$0x3FB0] =	sst s10  }
0x32: {  	s10 =	sld [smem:$0x3FAE];
	_ =	sdelay $0x3  }
0x33: {  	p0 =	seq.s32 s10, $0x1;
	s10 =	sld [smem:$0x3FB0];
	_ =	sdelay $0x3  }
0x34: {  	[smem:$0x3FB0] =	sst s10  }
0x35: {  	s10 =	sld [smem:$0x3FAF];
	_ =	sdelay $0x3  }
0x36: {  	p1 =	seq.s32 s10, $0x1;
	s10 =	sld [smem:$0x3FB0];
	_ =	sdelay $0x3  }
0x37: {  	[smem:$0x3FB0] =	sst s10  }
0x38: {  	s10 =	sld [smem:$0x3FB1]  }
0x39: {  	_ = 	snop;
	(pc) =	sbr.ind lr, $3  }
0x3a: {  	_ = 	snop  }
0x3b: {  	_ = 	snop  }
0x3c: {  	p2 =	seq.s32 s10, $0x1;
	s10 =	sld [smem:$0x3FB0]  }
0x3d: {  	_ =	shalt  }
0x3e: {  	_ =	shalt  }
0x3f: {  	_ =	shalt  }
0x40: {  	_ =	shalt  }
0x41: {  	_ =	shalt  }
0x42: {  	_ =	shalt  }
0x43: {  	_ =	shalt  }
0x44: {  	_ =	shalt  }
0x45: {  	_ =	shalt  }
0x46: {  	_ =	shalt  }
0x47: {  	_ =	shalt  }
0x48: {  	_ =	shalt  }
0x49: {  	_ =	shalt  }
0x4a: {  	_ =	shalt  }
0x4b: {  	_ =	shalt  }
0x4c: {  	_ =	shalt  }
0x4d: {  	_ =	shalt  }
0x4e: {  	_ =	shalt  }
0x4f: {  	_ =	shalt  }
0x50: {  	_ =	shalt  }
0x51: {  	_ =	shalt  }
0x52: {  	_ =	shalt  }
0x53: {  	_ =	shalt  }
0x54: {  	_ =	shalt  }
0x55: {  	_ =	shalt  }
0x56: {  	_ =	shalt  }
0x57: {  	_ =	shalt  }
0x58: {  	_ =	shalt  }
0x59: {  	_ =	shalt  }
0x5a: {  	_ =	shalt  }
0x5b: {  	_ =	shalt  }
0x5c: {  	_ =	shalt  }
0x5d: {  	_ =	shalt  }
0x5e: {  	_ =	shalt  }
0x5f: {  	_ =	shalt  }
0x60: {  	_ =	shalt  }
0x61: {  	_ =	shalt  }
0x62: {  	_ =	shalt  }
0x63: {  	_ =	shalt  }
0x64: {  	_ =	shalt  }
0x65: {  	_ =	shalt  }
0x66: {  	_ =	shalt  }
0x67: {  	_ =	shalt  }
0x68: {  	_ =	shalt  }
0x69: {  	_ =	shalt  }
0x6a: {  	_ =	shalt  }
0x6b: {  	_ =	shalt  }
0x6c: {  	_ =	shalt  }
0x6d: {  	_ =	shalt  }
0x6e: {  	_ =	shalt  }
0x6f: {  	_ =	shalt  }
0x70: {  	_ =	shalt  }
0x71: {  	_ =	shalt  }
0x72: {  	_ =	shalt  }
0x73: {  	_ =	shalt  }
0x74: {  	_ =	shalt  }
0x75: {  	_ =	shalt  }
0x76: {  	_ =	shalt  }
0x77: {  	_ =	shalt  }
0x78: {  	_ =	shalt  }
0x79: {  	_ =	shalt  }
0x7a: {  	_ =	shalt  }
0x7b: {  	_ =	shalt  }
0x7c: {  	_ =	shalt  }
0x7d: {  	_ =	shalt  }
0x7e: {  	_ =	shalt  }
0x7f: {  	_ =	shalt  }
0x80: {  	_ =	shalt  }
0x81: {  	_ =	shalt  }
0x82: {  	_ =	shalt  }
0x83: {  	_ =	shalt  }
0x84: {  	_ =	shalt  }
0x85: {  	_ =	shalt  }
0x86: {  	_ =	shalt  }
0x87: {  	_ =	shalt  }
.Lfunc_end0:
.L_simem_size_0:
called_computation.3_lowered:
.L_overlay_start_0:
0x88: {  	s2 =	sld [smem:$0x3FD9]  }
0x89: {  	s3 =	sld [smem:$0x3FFE];
	_ =	sdelay $0x1  }
0x8a: {  	s1 =	srdreg.scid  }
0x8b: {  	s0 =	sand.u32 $0x1, s1  }
0x8c: {  	s17 =	sshll.u32 s0, $0xA;
	s2 =	sadd.s32 s3, s2  }
0x8d: {  	s2 =	sadd.s32 s2, s17  }
0x8e: {  	[smem:$0x3FBC] =	sst s2  }
0x8f: {  	_ = 	snop  }
0x90: {  	s2 =	sld [smem:$0x3FD0];
	(tm) =	ssettm $0x1  }
0x91: {  	s18 =	sld [smem:$0x3FFB];
	_ =	sdelay $0x3  }
0x92: {  	_ =	strace s18  }
0x93: {  	s3 =	sld [smem:$0x3FFC];
	_ =	sdelay $0x3  }
0x94: {  	_ =	strace s3  }
0x95: {  	s3 =	sld [smem:$0x3FFD];
	_ =	sdelay $0x3  }
0x96: {  	_ =	strace s3  }
0x97: {  	_ =	strace $0x8FFFFFFF  }
0x98: {  	s19 =	sld [smem:$0x3FDB];
	_ =	sdelay $0x1  }
0x99: {  	s4 =	simm.s32 $_scs_section_size  }
0x9a: {  	s5 =	simm.s32 $_size__tile_overlayer_lowered;
	s6 =	simm.s32 $_tile_overlayer_lowered  }
0x9b: {  	s22 =	simm.s32 $0x1BFF;
	s21 =	sshll.u32 s6, $0x1;
	s3 =	sadd.s32 s4, s19  }
0x9c: {  	s7 =	simm.s32 $0x0;
	s20 =	sshll.u32 s5, $0x1;
	s5 =	sadd.s32 s21, s3  }
0x9d: {  	[timem:s7], [sflag:s22] =	dma.local [hbm:s5], s20  }
0x9e: {  	_ =	swait.ge [sflag:s22], s20  }
0x9f: {  	s4 =	ssub.s32 $0x0, s20;
	[sflag:s22] =	ssyncset.done $0x0  }
0xa0: {  	[sflag:s22] =	ssyncadd.s32 s4;
	_ =	sdelay $0x1  }
0xa1: {  	s23 =	simm.s32 $0x1B8B  }
0xa2: {  	_ =	swait.ge [sflag:s23], $0x1  }
0xa3: {  	[sflag:s23] =	ssyncset.done $0x0  }
0xa4: {  	s25 =	simm.s32 $0x1B8E;
	s24 =	sld [smem:$0x3FFE];
	[sflag:s23] =	ssyncadd.s32 $0xFFFFFFFF  }
0xa5: {  	s26 =	simm.s32 $execute0_lowered;
	[smem:$0x3FD2] =	sst s25  }
0xa6: {  	s5 =	sshll.u32 s26, $0x1;
	_ =	strace $0x8000004F;
	[dreg:$0x1] =	wrdreg $0xFFFFFFFF  }
0xa7: {  	s28 =	simm.s32 $_size_execute0_lowered;
	s3 =	sadd.s32 s3, s5;
	[dreg:$0x0] =	wrdreg $0x0  }
0xa8: {  	s5 =	sshll.u32 s28, $0x1;
	[dreg:$0x2] =	wrdreg s3  }
0xa9: {  	[dreg:$0x3] =	wrdreg s5  }
0xaa: {  	[dreg:$0x4] =	wrdreg $0xC0  }
0xab: {  	_ =	task [dreg:s7], $0x5FFFF  }
0xac: {  	[dreg:$0x1] =	wrdreg $0xFFFFFFFF  }
0xad: {  	[dreg:$0x0] =	wrdreg $0x60  }
0xae: {  	[dreg:$0x2] =	wrdreg s24  }
0xaf: {  	[dreg:$0x3] =	wrdreg s2  }
0xb0: {  	[dreg:$0x4] =	wrdreg $0x9  }
0xb1: {  	_ =	task.clear_ibuf [dreg:s7], $0x5FFFF;
	_ =	strace $0x9000004F  }
0xb2: {  	s29 =	simm.s32 $0x9;
	_ =	strace $0x80000051  }
0xb3: {  	_ =	swait.ge [sflag:s29], $0x1  }
0xb4: {  	[sflag:s29] =	ssyncadd.s32 $0xFFFFFFFF  }
0xb5: {  	_ =	strace $0x90000051  }
0xb6: {  	_ =	sfence  }
0xb7: {  	s30 =	sld [smem:$0x0];
	_ =	sdelay $0x2  }
0xb8: {  	s31 =	sshll.u32 s1, $0xD;
	s1 =	sshrl.u32 s1, $0x2  }
0xb9: {  	s3 =	sand.u32 $0x4000, s31;
	s1 =	sadd.s32 s1, s30  }
0xba: {  	s0 =	sor.u32 s3, s0;
	s1 =	sshll.u32 s1, $0x11  }
0xbb: {  	s0 =	sor.u32 s1, s0  }
0xbc: {  	s0 =	sadd.s32 $0x8F2B, s0  }
0xbd: {  	[sflag:s0] =	ssyncadd.remote.s32 $0x1  }
0xbe: {  	_ =	sfence.sel $0xFFFF  }
0xbf: {  	[dreg:$0x0] =	wrdreg $0xFFFFFFFF;
	(pc) =	sbr.abs _section_cstart, $3  }
0xc0: {  	[dreg:$0x1] =	wrdreg $0xFFFFFFFF  }
0xc1: {  	_ =	task.clear_ibuf [dreg:s7], $0x2FFFF;
	_ =	strace $0x9FFFFFFF  }
0xc2: {  	(tm) =	ssettm $0x7FFFFFFF  }
0xc3: {  	_ =	shalt  }
tec
execute0_lowered:
.L_overlay_start_1:
0x0: {  	(tag) =	ssettag $0x1  }
0x1: {  	s7 =	rddreg [dreg:$0x0]  }
0x2: {  	s1 =	rddreg [dreg:$0x1]  }
0x3: {  	s0 =	rddreg [dreg:$0x2]  }
0x4: {  	s2 =	simm.s32 $0x0;
	s3 =	srdreg.scid;
	s12 =	simm.s32 $0xA0  }
0x5: {  	s13 =	simm.s32 $0x28A0;
	s14 =	simm.s32 $0x1;
	s15 =	simm.s32 $0x2  }
0x6: {  	s16 =	simm.s32 $0x0;
	[smem:$0x7FF] =	sst s2;
	s5 =	sand.u32 $0x1, s3  }
0x7: {  	s4 =	sadd.s32 $0xE600, s7;
	s3 =	stileid.u32;
	s9 =	smul.u32 $0x27100, s5  }
0x8: {  	s6 =	sadd.s32 $0x4800, s7;
	s8 =	ssub.s32 $0x2, s5;
	s11 =	smul.u32 $0x2710, s3  }
0x9: {  	_ =	strace $0x80000050;
	s5 =	sadd.s32 $0x35800, s7;
	s10 =	sshrl.u32 s8, $0x1  }
0xa: {  	s7 =	sadd.s32 $0x5CA00, s7;
	s10 =	ssub.s32 s8, s10;
	s8 =	sadd.s32 s11, s9  }
0xb: {  	s11 =	simm.s32 $0x50;
	s9 =	smax.u32 s10, $0x1;
	s10 =	simm.s32 $0x3  }
.LBB2_1:
0xc: {  	s17 =	simm.s32 $0x0  }
.LBB2_2:
0xd: {  	s18 =	smul.u32 $0x50, s17;
	_ =	sdelay $0x1  }
0xe: {  	s18 =	sadd.s32 s18, s8  }
0xf: {  	s19 =	sshrl.u32 s18, $0x3  }
0x10: {  	s21 =	simm.s32 $0x0;
	s20 =	sadd.s32 s1, s19  }
0x11: {  	[tilespmem:s21], [sflag:$0x3] =	stream.linear.gather [hbm4b:s20+s21], $0x50, $0x38;
	[tilespmem:$0x50A0] =	vst v63  }
0x12: {  	_ =	swait.ge [sflag:s10], $0x50  }
0x13: {  	[sflag:s10] =	ssyncset.done $0x0  }
0x14: {  	s19 =	sadd.s32 s6, s19;
	[sflag:s10] =	ssyncadd.s32 $0xFFFFFFB0  }
0x15: {  	[tilespmem:s11], [sflag:$0x3] =	stream.linear.gather [hbm4b:s19+s21], $0x50, $0x38;
	[tilespmem:$0x50A0] =	vst v63  }
0x16: {  	_ =	swait.ge [sflag:s10], $0x50  }
0x17: {  	[sflag:s10] =	ssyncset.done $0x0  }
0x18: {  	[sflag:s10] =	ssyncadd.s32 $0xFFFFFFB0  }
0x19: {  	[tilespmem:s12], [sflag:$0x1] =	stream.indirect.gather [hbm4b:s4+s11], $0x80, s21, s11, $0xb8;
	[tilespmem:$0x50A0] =	vst v63  }
0x1a: {  	_ = 	snop  }
0x1b: {  	[tilespmem:s13], [sflag:$0x2] =	stream.indirect.gather [hbm4b:s5+s11], $0x80, s11, s11, $0xb8;
	[tilespmem:$0x50A0] =	vst v63  }
0x1c: {  	_ =	swait.ge [sflag:s14], $0x2800  }
0x1d: {  	[sflag:s14] =	ssyncset.done $0x0  }
0x1e: {  	[sflag:s14] =	ssyncadd.s32 $0xFFFFD800  }
0x1f: {  	_ =	swait.ge [sflag:s15], $0x2800  }
0x20: {  	[sflag:s15] =	ssyncset.done $0x0  }
0x21: {  	s19 =	simm.s32 $0x0;
	[sflag:s15] =	ssyncadd.s32 $0xFFFFD800  }
0x22: {  	v6 =	vld [tilespmem:s19+$0x28A0]  }
0x23: {  	v11 =	vld [tilespmem:s19+$0x28B0]  }
0x24: {  	v5 =	vld [tilespmem:s19+$0x28C0]  }
0x25: {  	v4 =	vld [tilespmem:s19+$0x28D0]  }
0x26: {  	v3 =	vld [tilespmem:s19+$0x28E0]  }
0x27: {  	v2 =	vld [tilespmem:s19+$0x28F0]  }
0x28: {  	v1 =	vld [tilespmem:s19+$0x2900]  }
0x29: {  	v0 =	vld [tilespmem:s19+$0x2910]  }
0x2a: {  	v12 =	vld [tilespmem:s19+$0xA0]  }
0x2b: {  	v13 =	vld [tilespmem:s19+$0xB0]  }
0x2c: {  	v10 =	vld [tilespmem:s19+$0xC0]  }
0x2d: {  	v9 =	vld [tilespmem:s19+$0xD0]  }
0x2e: {  	v8 =	vld [tilespmem:s19+$0xE0]  }
0x2f: {  	v7 =	vld [tilespmem:s19+$0xF0];
	v12 =	vadd.f32 v6, v12  }
0x30: {  	s20 =	simm.s32 $0x200;
	v11 =	vadd.f32 v11, v13;
	v6 =	vld [tilespmem:s19+$0x100]  }
.LBB2_3:
0x31: {  	s21 =	sshra.s32 s20, $0x2;
	p0 =	sne.s32 s20, $0x9E00;
	v12 =	vmax.f32 v12, $0.0e+00;
	v5 =	vadd.f32 v5, v10;
	v10 =	vld [tilespmem:s19+$0x110]  }
0x32: {  	v13 =	vld [tilespmem:s21+$0x28A0];
	[tilespmem:s19+$0xA0] =	vst v12;
	v11 =	vmax.f32 v11, $0.0e+00;
	v4 =	vadd.f32 v4, v9  }
0x33: {  	v14 =	vld [tilespmem:s21+$0x28B0];
	[tilespmem:s19+$0xB0] =	vst v11;
	v9 =	vmax.f32 v5, $0.0e+00;
	v3 =	vadd.f32 v3, v8  }
0x34: {  	v5 =	vld [tilespmem:s21+$0x28C0];
	[tilespmem:s19+$0xC0] =	vst v9;
	v8 =	vmax.f32 v4, $0.0e+00;
	v2 =	vadd.f32 v2, v7  }
0x35: {  	v4 =	vld [tilespmem:s21+$0x28D0];
	[tilespmem:s19+$0xD0] =	vst v8;
	v7 =	vmax.f32 v3, $0.0e+00;
	v1 =	vadd.f32 v1, v6  }
0x36: {  	v3 =	vld [tilespmem:s21+$0x28E0];
	[tilespmem:s19+$0xE0] =	vst v7;
	v6 =	vmax.f32 v2, $0.0e+00;
	v0 =	vadd.f32 v0, v10  }
0x37: {  	v2 =	vld [tilespmem:s21+$0x28F0];
	[tilespmem:s19+$0xF0] =	vst v6;
	v6 =	vmax.f32 v1, $0.0e+00  }
0x38: {  	v1 =	vld [tilespmem:s21+$0x2900];
	[tilespmem:s19+$0x100] =	vst v6;
	v6 =	vmax.f32 v0, $0.0e+00  }
0x39: {  	v0 =	vld [tilespmem:s21+$0x2910];
	[tilespmem:s19+$0x110] =	vst v6;
	s19 =	smov.u32 s21  }
0x3a: {  	v6 =	vld [tilespmem:s19+$0xA0]  }
0x3b: {  	v11 =	vld [tilespmem:s19+$0xB0]  }
.Ltmp0:
0x3c: {  	v10 =	vld [tilespmem:s19+$0xC0];
	(pc) =	sbr.rel @p0 .LBB2_3-.Ltmp0, $4  }
0x3d: {  	v9 =	vld [tilespmem:s19+$0xD0]  }
0x3e: {  	v8 =	vld [tilespmem:s19+$0xE0]  }
0x3f: {  	v12 =	vadd.f32 v13, v6;
	v7 =	vld [tilespmem:s19+$0xF0]  }
0x40: {  	s20 =	sadd.s32 $0x200, s20;
	v11 =	vadd.f32 v14, v11;
	v6 =	vld [tilespmem:s19+$0x100]  }
0x41: {  	v12 =	vmax.f32 v12, $0.0e+00;
	v5 =	vadd.f32 v5, v10;
	v63 =	vld [tilespmem:s19+$0x110]  }
0x42: {  	[tilespmem:s19+$0xA0] =	vst v12;
	v11 =	vmax.f32 v11, $0.0e+00;
	v4 =	vadd.f32 v4, v9  }
0x43: {  	[tilespmem:s19+$0xB0] =	vst v11;
	v5 =	vmax.f32 v5, $0.0e+00;
	v3 =	vadd.f32 v3, v8  }
0x44: {  	[tilespmem:s19+$0xC0] =	vst v5;
	v4 =	vmax.f32 v4, $0.0e+00;
	v2 =	vadd.f32 v2, v7  }
0x45: {  	[tilespmem:s19+$0xD0] =	vst v4;
	v3 =	vmax.f32 v3, $0.0e+00;
	v1 =	vadd.f32 v1, v6  }
0x46: {  	[tilespmem:s19+$0xE0] =	vst v3;
	v2 =	vmax.f32 v2, $0.0e+00;
	v0 =	vadd.f32 v0, v63  }
0x47: {  	s17 =	sadd.s32 $0x1, s17;
	[tilespmem:s19+$0xF0] =	vst v2;
	v1 =	vmax.f32 v1, $0.0e+00  }
0x48: {  	s18 =	sshll.u32 s18, $0x4;
	p0 =	sne.s32 s17, $0x7D;
	[tilespmem:s19+$0x100] =	vst v1;
	v0 =	vmax.f32 v0, $0.0e+00  }
.Ltmp1:
0x49: {  	s18 =	sadd.s32 s7, s18;
	[tilespmem:s19+$0x110] =	vst v0;
	(pc) =	sbr.rel @p0 .LBB2_2-.Ltmp1, $4  }
0x4a: {  	[hbm4b:s18+s2] =	stream.linear.scatter [tilespmem:s12], [sflag:$0x3], $0x2800, $0x38;
	[tilespmem:$0x50A0] =	vst v63  }
0x4b: {  	_ =	swait.ge [sflag:s10], $0x2800  }
0x4c: {  	[sflag:s10] =	ssyncset.done $0x0  }
0x4d: {  	[sflag:s10] =	ssyncadd.s32 $0xFFFFD800  }
0x4e: {  	s16 =	sadd.s32 $0x1, s16  }
0x4f: {  	p0 =	sne.s32 s16, s9  }
.Ltmp2:
0x50: {  	_ = 	snop;
	(pc) =	sbr.rel @p0 .LBB2_1-.Ltmp2, $1  }
0x51: {  	_ =	sdelay $0x3  }
0x52: {  	_ =	sfence.sel $0x180000  }
0x53: {  	[bflag:$0x0] =	sbarrier.arrive $0xFFFF  }
0x54: {  	p0 =	sne.s32 s3, $0x0;
	_ =	strace $0x90000050  }
0x55: {  	s0 =	sadd.s32 @!p0 $0x100000, s0;
	[bflag:$0x2] =	sbarrier.arrive $0xFFFF  }
0x56: {  	[sflag:s0] =	ssyncadd.tile.s32 @!p0 $0x1;
	_ =	shalt  }
.Lfunc_end2:
_tile_overlayer_lowered:
.L_overlay_start_2:
0x57: {  	(tag) =	ssettag $0x2  }
0x58: {  	s0 =	rddreg [dreg:$0x0];
	s2 =	stileid.u32  }
0x59: {  	s1 =	rddreg [dreg:$0x1];
	p0 =	sne.s32 s2, $0x0  }
0x5a: {  	s3 =	rddreg [dreg:$0x2];
	[bflag:$0x3] =	sbarrier.arrive $0xFFFF;
	s2 =	simm.s32 @!p0 $0x1C03  }
0x5b: {  	[timem:s3], [sflag:s2] =	dma.local @!p0 [hbm:s0], s1  }
0x5c: {  	s0 =	simm.s32 @!p0 $0x3  }
0x5d: {  	_ =	swait.ge @!p0 [sflag:s0], s1  }
0x5e: {  	s1 =	ssub.s32 @!p0 $0x0, s1;
	[sflag:s0] =	ssyncset.done @!p0 $0x0  }
0x5f: {  	[sflag:s0] =	ssyncadd.s32 @!p0 s1  }
0x60: {  	[bflag:$0x3] =	sbarrier.arrive $0xFFFF  }
0x61: {  	_ =	shalt  }

</sc_bundles>
